<compile_context>
chip_gen: v7x
topology: tpu7x:2x2x1
jax: 0.10.2.dev20260603
libtpu: 0.0.44.dev20260713+nightly
codegen_flags: <defaults>
</compile_context>

<pallas_src>
import functools

import jax
import jax.numpy as jnp
from jax import lax
from jax.experimental import pallas as pl
from jax.experimental.pallas import tpu as pltpu
from jax.experimental.pallas import tpu_sc as plsc

N = 10000
E = 320000
D_IN = 128
D_H = 64

NC = 2
NS = 16
NW = NC * NS
CHUNK = 80
NCH = 125
RPS = N // NS
ZR = 125
NSLOT = 10
HALF = NSLOT // 2

_mesh = plsc.VectorSubcoreMesh(
    core_axis_name="c", subcore_axis_name="s", num_cores=NC, num_subcores=NS
)


@functools.partial(
    pl.kernel,
    out_type=jax.ShapeDtypeStruct((N, NC * D_H), jnp.float32),
    mesh=_mesh,
    scratch_types=[
        pltpu.VMEM((NCH, CHUNK), jnp.int32),
        pltpu.VMEM((NCH, CHUNK), jnp.int32),
        [pltpu.VMEM((CHUNK, D_H), jnp.float32)] * NSLOT,
        pltpu.VMEM((ZR, D_H), jnp.float32),
        pltpu.VMEM_SHARED((N, D_H), jnp.float32),
        [pltpu.SemaphoreType.DMA] * NSLOT,
        [pltpu.SemaphoreType.DMA] * NSLOT,
    ],
    compiler_params=pltpu.CompilerParams(use_tc_tiling_on_sc=False),
)
def _sc_segment_sum(y_hbm, src_hbm, dst_hbm, out_hbm,
                    src_v, dst_v, bufs, zbuf, acc, gsems, ssems):
    cid = lax.axis_index("c")
    sid = lax.axis_index("s")
    wid = cid * NS + sid

    pltpu.async_copy(src_hbm.at[wid], src_v, gsems[0])
    pltpu.async_copy(dst_hbm.at[wid], dst_v, gsems[1])

    zv = jnp.zeros((16,), jnp.float32)

    @pl.loop(0, ZR)
    def _(r):
        @pl.loop(0, D_H, step=16)
        def _(c):
            zbuf.at[r, pl.ds(c, 16)][...] = zv

    @pl.loop(0, RPS, step=ZR)
    def _(r):
        pltpu.sync_copy(zbuf, acc.at[pl.ds(sid * RPS + r, ZR)])

    pltpu.make_async_copy(src_hbm.at[wid], src_v, gsems[0]).wait()
    pltpu.make_async_copy(dst_hbm.at[wid], dst_v, gsems[1]).wait()
    plsc.subcore_barrier()

    def gather(j, k):
        pltpu.async_copy(y_hbm.at[src_v.at[j]], bufs[k], gsems[k])

    def wait_gather(k):
        pltpu.make_async_copy(y_hbm.at[src_v.at[0]], bufs[k], gsems[k]).wait()

    def scat_add(j, k):
        pltpu.async_copy(bufs[k], acc.at[dst_v.at[j]], ssems[k], add=True)

    def wait_scat(k):
        pltpu.make_async_copy(bufs[k], acc.at[dst_v.at[0]], ssems[k]).wait()

    for t in range(HALF):
        gather(t, t)
    for t in range(HALF):
        wait_gather(t)
        scat_add(t, t)
        gather(t + HALF, t + HALF)

    @pl.loop(HALF, NCH - 2 * HALF, step=NSLOT)
    def _(j):
        for k in range(NSLOT):
            s = (HALF + k) % NSLOT
            p = k % NSLOT
            wait_gather(s)
            scat_add(j + k, s)
            wait_scat(p)
            gather(j + k + HALF, p)

    for t in range(NCH - 2 * HALF, NCH - HALF):
        s, p = t % NSLOT, (t + HALF) % NSLOT
        wait_gather(s)
        scat_add(t, s)
        wait_scat(p)
        gather(t + HALF, p)
    for t in range(NCH - HALF, NCH):
        s, p = t % NSLOT, (t + HALF) % NSLOT
        wait_gather(s)
        scat_add(t, s)
        wait_scat(p)
    for t in range(NCH - HALF, NCH):
        wait_scat(t % NSLOT)

    plsc.subcore_barrier()
    rows = pl.ds(sid * RPS, RPS)
    pltpu.sync_copy(acc.at[rows], out_hbm.at[rows, pl.ds(cid * D_H, D_H)])


def _mm1_body(x_ref, w_ref, o_ref):
    h = jnp.dot(x_ref[...], w_ref[...], preferred_element_type=jnp.float32)
    o_ref[...] = jnp.pad(h, ((0, 0), (0, D_H)))


_mm1 = pl.pallas_call(
    _mm1_body, out_shape=jax.ShapeDtypeStruct((N, 2 * D_H), jnp.float32)
)


def _mlp2_body(y_ref, par_ref, b1_ref, w2_ref, b2_ref, o_ref):
    par = par_ref[...]
    h = y_ref[:, :D_H] + par[:, :D_H] + par[:, D_H:] + b1_ref[...]
    h = jnp.maximum(h, 0.0)
    o_ref[...] = jnp.dot(h, w2_ref[...], preferred_element_type=jnp.float32) + b2_ref[...]


_mlp2 = pl.pallas_call(
    _mlp2_body, out_shape=jax.ShapeDtypeStruct((N, D_H), jnp.float32)
)


def kernel(x, edge_index, W1, b1, W2, b2):
    x = x.astype(jnp.float32)
    ei = edge_index.astype(jnp.int32)
    src_t, dst_t = lax.optimization_barrier(
        ((ei[0] * 2).reshape(E // 128, 128), ei[1].reshape(E // 128, 128)))
    src = src_t.reshape(NW, NCH, CHUNK)
    dst = dst_t.reshape(NW, NCH, CHUNK)

    y2 = _mm1(x, W1)
    partials = _sc_segment_sum(y2.reshape(2 * N, D_H), src, dst)
    return _mlp2(y2, partials, b1.reshape(1, D_H), W2, b2.reshape(1, D_H))

# --- scband reference (transcript-rebuilt; emitter-appended) ---
"""Pipeline reference for scband-gcn-50878182588434 (READ-ONLY COPY).

The authoritative reference and input builder live on the scoring server;
editing this copy changes nothing except your own understanding.
"""

import jax, jax.numpy as jnp
import numpy as np

N = 10000
E = 320000
D_IN = 128
D_H = 64


def setup_inputs(seed: int = 0) -> dict:
    key = jax.random.key(seed)
    k1, k2, k3, k4, k5, k6 = jax.random.split(key, 6)
    x = jax.random.normal(k1, (N, D_IN), dtype=jnp.float32)
    edge_index = jax.random.randint(k2, (2, E), 0, N)
    W1 = jax.random.normal(k3, (D_IN, D_H), dtype=jnp.float32) * 0.05
    b1 = jax.random.normal(k4, (D_H,), dtype=jnp.float32) * 0.05
    W2 = jax.random.normal(k5, (D_H, D_H), dtype=jnp.float32) * 0.05
    b2 = jax.random.normal(k6, (D_H,), dtype=jnp.float32) * 0.05
    return {"x": x, "edge_index": edge_index, "W1": W1, "b1": b1, "W2": W2, "b2": b2}


def reference(x, edge_index, W1, b1, W2, b2):
    # GINConv with default eps=0: out = MLP((1+eps)*x + sum_{j in N(i)} x_j)
    src = edge_index[0]
    dst = edge_index[1]
    msgs = jnp.take(x, src, axis=0)          # gather source-node features per edge
    aggr = jax.ops.segment_sum(msgs, dst, num_segments=x.shape[0])  # scatter-add to dst
    h = x + aggr                              # (1 + eps) * x with eps = 0
    h = h @ W1 + b1
    h = jax.nn.relu(h)
    h = h @ W2 + b2
    return h

if __name__ == "__main__":
    import jax
    _d = setup_inputs()
    print(jax.jit(kernel)(*tuple(_d.values())))

</pallas_src>

<mosaic_0001>
#map = affine_map<(d0, d1) -> (0, 0)>
#map1 = affine_map<(d0, d1) -> (0, 0, 0)>
module attributes {stable_mosaic.version = 14 : i64} {
  func.func @_sc_segment_sum(%arg0: i32, %arg1: i32, %arg2: memref<20000x64xf32, #tpu.memory_space<hbm>>, %arg3: memref<32x125x80xi32, #tpu.memory_space<hbm>>, %arg4: memref<32x125x80xi32, #tpu.memory_space<hbm>>, %arg5: memref<10000x128xf32, #tpu.memory_space<hbm>>, %arg6: memref<125x80xi32, #tpu.memory_space<vmem>>, %arg7: memref<125x80xi32, #tpu.memory_space<vmem>>, %arg8: memref<80x64xf32, #tpu.memory_space<vmem>>, %arg9: memref<80x64xf32, #tpu.memory_space<vmem>>, %arg10: memref<80x64xf32, #tpu.memory_space<vmem>>, %arg11: memref<80x64xf32, #tpu.memory_space<vmem>>, %arg12: memref<80x64xf32, #tpu.memory_space<vmem>>, %arg13: memref<80x64xf32, #tpu.memory_space<vmem>>, %arg14: memref<80x64xf32, #tpu.memory_space<vmem>>, %arg15: memref<80x64xf32, #tpu.memory_space<vmem>>, %arg16: memref<80x64xf32, #tpu.memory_space<vmem>>, %arg17: memref<80x64xf32, #tpu.memory_space<vmem>>, %arg18: memref<125x64xf32, #tpu.memory_space<vmem>>, %arg19: memref<10000x64xf32, #tpu.memory_space<vmem_shared>>, %arg20: memref<!tpu.dma_semaphore, #tpu.memory_space<semaphore_mem>>, %arg21: memref<!tpu.dma_semaphore, #tpu.memory_space<semaphore_mem>>, %arg22: memref<!tpu.dma_semaphore, #tpu.memory_space<semaphore_mem>>, %arg23: memref<!tpu.dma_semaphore, #tpu.memory_space<semaphore_mem>>, %arg24: memref<!tpu.dma_semaphore, #tpu.memory_space<semaphore_mem>>, %arg25: memref<!tpu.dma_semaphore, #tpu.memory_space<semaphore_mem>>, %arg26: memref<!tpu.dma_semaphore, #tpu.memory_space<semaphore_mem>>, %arg27: memref<!tpu.dma_semaphore, #tpu.memory_space<semaphore_mem>>, %arg28: memref<!tpu.dma_semaphore, #tpu.memory_space<semaphore_mem>>, %arg29: memref<!tpu.dma_semaphore, #tpu.memory_space<semaphore_mem>>, %arg30: memref<!tpu.dma_semaphore, #tpu.memory_space<semaphore_mem>>, %arg31: memref<!tpu.dma_semaphore, #tpu.memory_space<semaphore_mem>>, %arg32: memref<!tpu.dma_semaphore, #tpu.memory_space<semaphore_mem>>, %arg33: memref<!tpu.dma_semaphore, #tpu.memory_space<semaphore_mem>>, %arg34: memref<!tpu.dma_semaphore, #tpu.memory_space<semaphore_mem>>, %arg35: memref<!tpu.dma_semaphore, #tpu.memory_space<semaphore_mem>>, %arg36: memref<!tpu.dma_semaphore, #tpu.memory_space<semaphore_mem>>, %arg37: memref<!tpu.dma_semaphore, #tpu.memory_space<semaphore_mem>>, %arg38: memref<!tpu.dma_semaphore, #tpu.memory_space<semaphore_mem>>, %arg39: memref<!tpu.dma_semaphore, #tpu.memory_space<semaphore_mem>>) attributes {dimension_semantics = [#tpu.dimension_semantics<core_parallel>, #tpu.dimension_semantics<subcore_parallel>], iteration_bounds = array<i64: 2, 16>, scalar_prefetch = 0 : i64, scratch_operands = 34 : i64, tpu.core_type = #tpu.core_type<sc_vector_subcore>, window_params = [{transform_indices = #map}, {transform_indices = #map1}, {transform_indices = #map1}, {transform_indices = #map}]} {
    %mul3A = arith.constant 16 : i32
    %mul3A_0 = arith.muli %arg0, %mul3A : i32
    %add3A = arith.addi %mul3A_0, %arg1 : i32
    %dma_start3A = arith.constant 0 : i32
    %dma_start3A_1 = arith.constant 0 : i32
    %dma_start3A_2 = tpu.memref_slice %arg3[%add3A, %dma_start3A, %dma_start3A_1] : memref<32x125x80xi32, #tpu.memory_space<hbm>> -> memref<1x125x80xi32, #tpu.memory_space<hbm>>
    %dma_start3A_3 = tpu.memref_squeeze %dma_start3A_2 : memref<1x125x80xi32, #tpu.memory_space<hbm>> -> memref<125x80xi32, #tpu.memory_space<hbm>>
    %dma_start3A_4 = arith.constant 0 : i32
    %dma_start3A_5 = arith.constant 0 : i32
    %dma_start3A_6 = tpu.memref_slice %arg3[%add3A, %dma_start3A_4, %dma_start3A_5] : memref<32x125x80xi32, #tpu.memory_space<hbm>> -> memref<1x125x80xi32, #tpu.memory_space<hbm>>
    %dma_start3A_7 = tpu.memref_squeeze %dma_start3A_6 : memref<1x125x80xi32, #tpu.memory_space<hbm>> -> memref<125x80xi32, #tpu.memory_space<hbm>>
    tpu.enqueue_dma source(%dma_start3A_7 : memref<125x80xi32, #tpu.memory_space<hbm>>) target(%arg6 : memref<125x80xi32, #tpu.memory_space<vmem>>) target_semaphore(%arg20 : memref<!tpu.dma_semaphore, #tpu.memory_space<semaphore_mem>>)
    %dma_start3A_8 = arith.constant 0 : i32
    %dma_start3A_9 = arith.constant 0 : i32
    %dma_start3A_10 = tpu.memref_slice %arg4[%add3A, %dma_start3A_8, %dma_start3A_9] : memref<32x125x80xi32, #tpu.memory_space<hbm>> -> memref<1x125x80xi32, #tpu.memory_space<hbm>>
    %dma_start3A_11 = tpu.memref_squeeze %dma_start3A_10 : memref<1x125x80xi32, #tpu.memory_space<hbm>> -> memref<125x80xi32, #tpu.memory_space<hbm>>
    %dma_start3A_12 = arith.constant 0 : i32
    %dma_start3A_13 = arith.constant 0 : i32
    %dma_start3A_14 = tpu.memref_slice %arg4[%add3A, %dma_start3A_12, %dma_start3A_13] : memref<32x125x80xi32, #tpu.memory_space<hbm>> -> memref<1x125x80xi32, #tpu.memory_space<hbm>>
    %dma_start3A_15 = tpu.memref_squeeze %dma_start3A_14 : memref<1x125x80xi32, #tpu.memory_space<hbm>> -> memref<125x80xi32, #tpu.memory_space<hbm>>
    tpu.enqueue_dma source(%dma_start3A_15 : memref<125x80xi32, #tpu.memory_space<hbm>>) target(%arg7 : memref<125x80xi32, #tpu.memory_space<vmem>>) target_semaphore(%arg21 : memref<!tpu.dma_semaphore, #tpu.memory_space<semaphore_mem>>)
    %broadcast_in_dim3A = arith.constant 0.000000e+00 : f32
    %broadcast_in_dim3A_16 = vector.broadcast %broadcast_in_dim3A : f32 to vector<16xf32>
    %scan3A = arith.constant 0 : i32
    %scan3A_17 = arith.constant 125 : i32
    %scan3A_18 = arith.addi %scan3A, %scan3A_17 : i32
    %scan3A_19 = arith.constant 1 : i32
    scf.for %scan3A_471 = %scan3A to %scan3A_18 step %scan3A_19  : i32 {
      %mul3A_472 = arith.constant 1 : i32
      %mul3A_473 = arith.muli %scan3A_471, %mul3A_472 : i32
      %add3A_474 = arith.constant 0 : i32
      %add3A_475 = arith.addi %add3A_474, %mul3A_473 : i32
      %scan3A_476 = arith.constant 0 : i32
      %scan3A_477 = arith.constant 4 : i32
      %scan3A_478 = arith.addi %scan3A_476, %scan3A_477 : i32
      %scan3A_479 = arith.constant 1 : i32
      scf.for %scan3A_481 = %scan3A_476 to %scan3A_478 step %scan3A_479  : i32 {
        %mul3A_482 = arith.constant 16 : i32
        %mul3A_483 = arith.muli %scan3A_481, %mul3A_482 : i32
        %add3A_484 = arith.constant 0 : i32
        %add3A_485 = arith.addi %add3A_484, %mul3A_483 : i32
        %swap3A = arith.index_cast %add3A_475 : i32 to index
        %swap3A_486 = arith.index_cast %add3A_485 : i32 to index
        %swap3A_487 = tpu.vector_load %arg18[%swap3A, %swap3A_486] {strides = array<i32>} : memref<125x64xf32, #tpu.memory_space<vmem>>, vector<1x16xf32>,
        %swap3A_488 = vector.shape_cast %swap3A_487 : vector<1x16xf32> to vector<16xf32>
        %swap3A_489 = vector.shape_cast %broadcast_in_dim3A_16 : vector<16xf32> to vector<1x16xf32>
        tpu.vector_store %arg18[%swap3A, %swap3A_486], %swap3A_489 {strides = array<i32>} : memref<125x64xf32, #tpu.memory_space<vmem>>, vector<1x16xf32>,
      }
      %scan3A_480 = arith.constant 4 : i32
    }
    %scan3A_20 = arith.constant 125 : i32
    %scan3A_21 = arith.constant 0 : i32
    %scan3A_22 = arith.constant 5 : i32
    %scan3A_23 = arith.addi %scan3A_21, %scan3A_22 : i32
    %scan3A_24 = arith.constant 1 : i32
    scf.for %scan3A_471 = %scan3A_21 to %scan3A_23 step %scan3A_24  : i32 {
      %mul3A_472 = arith.constant 125 : i32
      %mul3A_473 = arith.muli %scan3A_471, %mul3A_472 : i32
      %add3A_474 = arith.constant 0 : i32
      %add3A_475 = arith.addi %add3A_474, %mul3A_473 : i32
      %mul3A_476 = arith.constant 625 : i32
      %mul3A_477 = arith.muli %arg1, %mul3A_476 : i32
      %add3A_478 = arith.addi %mul3A_477, %add3A_475 : i32
      "tpu.region"() ({
        %run_scoped3A = tpu.sem_alloc : memref<!tpu.dma_semaphore, #tpu.memory_space<semaphore_mem>>
        %dma_start3A_479 = arith.constant 0 : i32
        %dma_start3A_480 = tpu.memref_slice %arg19[%add3A_478, %dma_start3A_479] : memref<10000x64xf32, #tpu.memory_space<vmem_shared>> -> memref<125x64xf32, #tpu.memory_space<vmem_shared>>
        %dma_start3A_481 = arith.constant 0 : i32
        %dma_start3A_482 = tpu.memref_slice %arg19[%add3A_478, %dma_start3A_481] : memref<10000x64xf32, #tpu.memory_space<vmem_shared>> -> memref<125x64xf32, #tpu.memory_space<vmem_shared>>
        tpu.enqueue_dma source(%arg18 : memref<125x64xf32, #tpu.memory_space<vmem>>) target(%dma_start3A_482 : memref<125x64xf32, #tpu.memory_space<vmem_shared>>) target_semaphore(%run_scoped3A : memref<!tpu.dma_semaphore, #tpu.memory_space<semaphore_mem>>)
        %dma_wait3A_483 = arith.constant 0 : i32
        %dma_wait3A_484 = tpu.memref_slice %arg19[%add3A_478, %dma_wait3A_483] : memref<10000x64xf32, #tpu.memory_space<vmem_shared>> -> memref<125x64xf32, #tpu.memory_space<vmem_shared>>
        %dma_wait3A_485 = arith.constant 0 : i32
        %dma_wait3A_486 = tpu.memref_slice %arg19[%add3A_478, %dma_wait3A_485] : memref<10000x64xf32, #tpu.memory_space<vmem_shared>> -> memref<125x64xf32, #tpu.memory_space<vmem_shared>>
        tpu.wait_dma2 semaphore(%run_scoped3A : memref<!tpu.dma_semaphore, #tpu.memory_space<semaphore_mem>>) src(%arg18 : memref<125x64xf32, #tpu.memory_space<vmem>>) dst(%dma_wait3A_486 : memref<125x64xf32, #tpu.memory_space<vmem_shared>>)
        tpu.yield
      }) : () -> ()
    }
    %scan3A_25 = arith.constant 5 : i32
    %dma_wait3A = arith.constant 0 : i32
    %dma_wait3A_26 = arith.constant 0 : i32
    %dma_wait3A_27 = tpu.memref_slice %arg3[%add3A, %dma_wait3A, %dma_wait3A_26] : memref<32x125x80xi32, #tpu.memory_space<hbm>> -> memref<1x125x80xi32, #tpu.memory_space<hbm>>
    %dma_wait3A_28 = tpu.memref_squeeze %dma_wait3A_27 : memref<1x125x80xi32, #tpu.memory_space<hbm>> -> memref<125x80xi32, #tpu.memory_space<hbm>>
    %dma_wait3A_29 = arith.constant 0 : i32
    %dma_wait3A_30 = arith.constant 0 : i32
    %dma_wait3A_31 = tpu.memref_slice %arg3[%add3A, %dma_wait3A_29, %dma_wait3A_30] : memref<32x125x80xi32, #tpu.memory_space<hbm>> -> memref<1x125x80xi32, #tpu.memory_space<hbm>>
    %dma_wait3A_32 = tpu.memref_squeeze %dma_wait3A_31 : memref<1x125x80xi32, #tpu.memory_space<hbm>> -> memref<125x80xi32, #tpu.memory_space<hbm>>
    tpu.wait_dma2 semaphore(%arg20 : memref<!tpu.dma_semaphore, #tpu.memory_space<semaphore_mem>>) src(%dma_wait3A_32 : memref<125x80xi32, #tpu.memory_space<hbm>>) dst(%arg6 : memref<125x80xi32, #tpu.memory_space<vmem>>)
    %dma_wait3A_33 = arith.constant 0 : i32
    %dma_wait3A_34 = arith.constant 0 : i32
    %dma_wait3A_35 = tpu.memref_slice %arg4[%add3A, %dma_wait3A_33, %dma_wait3A_34] : memref<32x125x80xi32, #tpu.memory_space<hbm>> -> memref<1x125x80xi32, #tpu.memory_space<hbm>>
    %dma_wait3A_36 = tpu.memref_squeeze %dma_wait3A_35 : memref<1x125x80xi32, #tpu.memory_space<hbm>> -> memref<125x80xi32, #tpu.memory_space<hbm>>
    %dma_wait3A_37 = arith.constant 0 : i32
    %dma_wait3A_38 = arith.constant 0 : i32
    %dma_wait3A_39 = tpu.memref_slice %arg4[%add3A, %dma_wait3A_37, %dma_wait3A_38] : memref<32x125x80xi32, #tpu.memory_space<hbm>> -> memref<1x125x80xi32, #tpu.memory_space<hbm>>
    %dma_wait3A_40 = tpu.memref_squeeze %dma_wait3A_39 : memref<1x125x80xi32, #tpu.memory_space<hbm>> -> memref<125x80xi32, #tpu.memory_space<hbm>>
    tpu.wait_dma2 semaphore(%arg21 : memref<!tpu.dma_semaphore, #tpu.memory_space<semaphore_mem>>) src(%dma_wait3A_40 : memref<125x80xi32, #tpu.memory_space<hbm>>) dst(%arg7 : memref<125x80xi32, #tpu.memory_space<vmem>>)
    %barrier3A = arith.constant 0 : index
    tpu.barrier barrier_id(%barrier3A)
    %dma_start3A_41 = arith.constant 0 : i32
    %dma_start3A_42 = arith.constant 0 : i32
    %dma_start3A_43 = tpu.memref_slice %arg6[%dma_start3A_41, %dma_start3A_42] : memref<125x80xi32, #tpu.memory_space<vmem>> -> memref<1x80xi32, #tpu.memory_space<vmem>>
    %dma_start3A_44 = tpu.memref_squeeze %dma_start3A_43 : memref<1x80xi32, #tpu.memory_space<vmem>> -> memref<80xi32, #tpu.memory_space<vmem>>
    %dma_start3A_45 = arith.constant 0 : i32
    %dma_start3A_46 = arith.constant 0 : i32
    %dma_start3A_47 = tpu.memref_slice %arg2[%dma_start3A_45, %dma_start3A_46] : memref<20000x64xf32, #tpu.memory_space<hbm>> -> memref<20000x64xf32, #tpu.memory_space<hbm>>
    tpu.enqueue_indirect_dma source(%dma_start3A_47 : memref<20000x64xf32, #tpu.memory_space<hbm>>) target(%arg8 : memref<80x64xf32, #tpu.memory_space<vmem>>) offsets(%dma_start3A_44 : memref<80xi32, #tpu.memory_space<vmem>>) semaphore(%arg20 : memref<!tpu.dma_semaphore, #tpu.memory_space<semaphore_mem>>)
    %dma_start3A_48 = arith.constant 1 : i32
    %dma_start3A_49 = arith.constant 0 : i32
    %dma_start3A_50 = tpu.memref_slice %arg6[%dma_start3A_48, %dma_start3A_49] : memref<125x80xi32, #tpu.memory_space<vmem>> -> memref<1x80xi32, #tpu.memory_space<vmem>>
    %dma_start3A_51 = tpu.memref_squeeze %dma_start3A_50 : memref<1x80xi32, #tpu.memory_space<vmem>> -> memref<80xi32, #tpu.memory_space<vmem>>
    %dma_start3A_52 = arith.constant 0 : i32
    %dma_start3A_53 = arith.constant 0 : i32
    %dma_start3A_54 = tpu.memref_slice %arg2[%dma_start3A_52, %dma_start3A_53] : memref<20000x64xf32, #tpu.memory_space<hbm>> -> memref<20000x64xf32, #tpu.memory_space<hbm>>
    tpu.enqueue_indirect_dma source(%dma_start3A_54 : memref<20000x64xf32, #tpu.memory_space<hbm>>) target(%arg9 : memref<80x64xf32, #tpu.memory_space<vmem>>) offsets(%dma_start3A_51 : memref<80xi32, #tpu.memory_space<vmem>>) semaphore(%arg21 : memref<!tpu.dma_semaphore, #tpu.memory_space<semaphore_mem>>)
    %dma_start3A_55 = arith.constant 2 : i32
    %dma_start3A_56 = arith.constant 0 : i32
    %dma_start3A_57 = tpu.memref_slice %arg6[%dma_start3A_55, %dma_start3A_56] : memref<125x80xi32, #tpu.memory_space<vmem>> -> memref<1x80xi32, #tpu.memory_space<vmem>>
    %dma_start3A_58 = tpu.memref_squeeze %dma_start3A_57 : memref<1x80xi32, #tpu.memory_space<vmem>> -> memref<80xi32, #tpu.memory_space<vmem>>
    %dma_start3A_59 = arith.constant 0 : i32
    %dma_start3A_60 = arith.constant 0 : i32
    %dma_start3A_61 = tpu.memref_slice %arg2[%dma_start3A_59, %dma_start3A_60] : memref<20000x64xf32, #tpu.memory_space<hbm>> -> memref<20000x64xf32, #tpu.memory_space<hbm>>
    tpu.enqueue_indirect_dma source(%dma_start3A_61 : memref<20000x64xf32, #tpu.memory_space<hbm>>) target(%arg10 : memref<80x64xf32, #tpu.memory_space<vmem>>) offsets(%dma_start3A_58 : memref<80xi32, #tpu.memory_space<vmem>>) semaphore(%arg22 : memref<!tpu.dma_semaphore, #tpu.memory_space<semaphore_mem>>)
    %dma_start3A_62 = arith.constant 3 : i32
    %dma_start3A_63 = arith.constant 0 : i32
    %dma_start3A_64 = tpu.memref_slice %arg6[%dma_start3A_62, %dma_start3A_63] : memref<125x80xi32, #tpu.memory_space<vmem>> -> memref<1x80xi32, #tpu.memory_space<vmem>>
    %dma_start3A_65 = tpu.memref_squeeze %dma_start3A_64 : memref<1x80xi32, #tpu.memory_space<vmem>> -> memref<80xi32, #tpu.memory_space<vmem>>
    %dma_start3A_66 = arith.constant 0 : i32
    %dma_start3A_67 = arith.constant 0 : i32
    %dma_start3A_68 = tpu.memref_slice %arg2[%dma_start3A_66, %dma_start3A_67] : memref<20000x64xf32, #tpu.memory_space<hbm>> -> memref<20000x64xf32, #tpu.memory_space<hbm>>
    tpu.enqueue_indirect_dma source(%dma_start3A_68 : memref<20000x64xf32, #tpu.memory_space<hbm>>) target(%arg11 : memref<80x64xf32, #tpu.memory_space<vmem>>) offsets(%dma_start3A_65 : memref<80xi32, #tpu.memory_space<vmem>>) semaphore(%arg23 : memref<!tpu.dma_semaphore, #tpu.memory_space<semaphore_mem>>)
    %dma_start3A_69 = arith.constant 4 : i32
    %dma_start3A_70 = arith.constant 0 : i32
    %dma_start3A_71 = tpu.memref_slice %arg6[%dma_start3A_69, %dma_start3A_70] : memref<125x80xi32, #tpu.memory_space<vmem>> -> memref<1x80xi32, #tpu.memory_space<vmem>>
    %dma_start3A_72 = tpu.memref_squeeze %dma_start3A_71 : memref<1x80xi32, #tpu.memory_space<vmem>> -> memref<80xi32, #tpu.memory_space<vmem>>
    %dma_start3A_73 = arith.constant 0 : i32
    %dma_start3A_74 = arith.constant 0 : i32
    %dma_start3A_75 = tpu.memref_slice %arg2[%dma_start3A_73, %dma_start3A_74] : memref<20000x64xf32, #tpu.memory_space<hbm>> -> memref<20000x64xf32, #tpu.memory_space<hbm>>
    tpu.enqueue_indirect_dma source(%dma_start3A_75 : memref<20000x64xf32, #tpu.memory_space<hbm>>) target(%arg12 : memref<80x64xf32, #tpu.memory_space<vmem>>) offsets(%dma_start3A_72 : memref<80xi32, #tpu.memory_space<vmem>>) semaphore(%arg24 : memref<!tpu.dma_semaphore, #tpu.memory_space<semaphore_mem>>)
    %dma_wait3A_76 = arith.constant 0 : i32
    %dma_wait3A_77 = arith.constant 0 : i32
    %dma_wait3A_78 = tpu.memref_slice %arg6[%dma_wait3A_76, %dma_wait3A_77] : memref<125x80xi32, #tpu.memory_space<vmem>> -> memref<1x80xi32, #tpu.memory_space<vmem>>
    %dma_wait3A_79 = tpu.memref_squeeze %dma_wait3A_78 : memref<1x80xi32, #tpu.memory_space<vmem>> -> memref<80xi32, #tpu.memory_space<vmem>>
    %dma_wait3A_80 = arith.constant 0 : i32
    %dma_wait3A_81 = arith.constant 0 : i32
    %dma_wait3A_82 = tpu.memref_slice %arg2[%dma_wait3A_80, %dma_wait3A_81] : memref<20000x64xf32, #tpu.memory_space<hbm>> -> memref<20000x64xf32, #tpu.memory_space<hbm>>
    tpu.wait_indirect_dma semaphore(%arg20 : memref<!tpu.dma_semaphore, #tpu.memory_space<semaphore_mem>>) src(%dma_wait3A_82 : memref<20000x64xf32, #tpu.memory_space<hbm>>) dst(%arg8 : memref<80x64xf32, #tpu.memory_space<vmem>>)
    %dma_start3A_83 = arith.constant 0 : i32
    %dma_start3A_84 = arith.constant 0 : i32
    %dma_start3A_85 = tpu.memref_slice %arg7[%dma_start3A_83, %dma_start3A_84] : memref<125x80xi32, #tpu.memory_space<vmem>> -> memref<1x80xi32, #tpu.memory_space<vmem>>
    %dma_start3A_86 = tpu.memref_squeeze %dma_start3A_85 : memref<1x80xi32, #tpu.memory_space<vmem>> -> memref<80xi32, #tpu.memory_space<vmem>>
    %dma_start3A_87 = arith.constant 0 : i32
    %dma_start3A_88 = arith.constant 0 : i32
    %dma_start3A_89 = tpu.memref_slice %arg19[%dma_start3A_87, %dma_start3A_88] : memref<10000x64xf32, #tpu.memory_space<vmem_shared>> -> memref<10000x64xf32, #tpu.memory_space<vmem_shared>>
    tpu.enqueue_indirect_dma source(%arg8 : memref<80x64xf32, #tpu.memory_space<vmem>>) target(%dma_start3A_89 : memref<10000x64xf32, #tpu.memory_space<vmem_shared>>) offsets(%dma_start3A_86 : memref<80xi32, #tpu.memory_space<vmem>>) semaphore(%arg30 : memref<!tpu.dma_semaphore, #tpu.memory_space<semaphore_mem>>) {add = true}
    %dma_start3A_90 = arith.constant 5 : i32
    %dma_start3A_91 = arith.constant 0 : i32
    %dma_start3A_92 = tpu.memref_slice %arg6[%dma_start3A_90, %dma_start3A_91] : memref<125x80xi32, #tpu.memory_space<vmem>> -> memref<1x80xi32, #tpu.memory_space<vmem>>
    %dma_start3A_93 = tpu.memref_squeeze %dma_start3A_92 : memref<1x80xi32, #tpu.memory_space<vmem>> -> memref<80xi32, #tpu.memory_space<vmem>>
    %dma_start3A_94 = arith.constant 0 : i32
    %dma_start3A_95 = arith.constant 0 : i32
    %dma_start3A_96 = tpu.memref_slice %arg2[%dma_start3A_94, %dma_start3A_95] : memref<20000x64xf32, #tpu.memory_space<hbm>> -> memref<20000x64xf32, #tpu.memory_space<hbm>>
    tpu.enqueue_indirect_dma source(%dma_start3A_96 : memref<20000x64xf32, #tpu.memory_space<hbm>>) target(%arg13 : memref<80x64xf32, #tpu.memory_space<vmem>>) offsets(%dma_start3A_93 : memref<80xi32, #tpu.memory_space<vmem>>) semaphore(%arg25 : memref<!tpu.dma_semaphore, #tpu.memory_space<semaphore_mem>>)
    %dma_wait3A_97 = arith.constant 0 : i32
    %dma_wait3A_98 = arith.constant 0 : i32
    %dma_wait3A_99 = tpu.memref_slice %arg6[%dma_wait3A_97, %dma_wait3A_98] : memref<125x80xi32, #tpu.memory_space<vmem>> -> memref<1x80xi32, #tpu.memory_space<vmem>>
    %dma_wait3A_100 = tpu.memref_squeeze %dma_wait3A_99 : memref<1x80xi32, #tpu.memory_space<vmem>> -> memref<80xi32, #tpu.memory_space<vmem>>
    %dma_wait3A_101 = arith.constant 0 : i32
    %dma_wait3A_102 = arith.constant 0 : i32
    %dma_wait3A_103 = tpu.memref_slice %arg2[%dma_wait3A_101, %dma_wait3A_102] : memref<20000x64xf32, #tpu.memory_space<hbm>> -> memref<20000x64xf32, #tpu.memory_space<hbm>>
    tpu.wait_indirect_dma semaphore(%arg21 : memref<!tpu.dma_semaphore, #tpu.memory_space<semaphore_mem>>) src(%dma_wait3A_103 : memref<20000x64xf32, #tpu.memory_space<hbm>>) dst(%arg9 : memref<80x64xf32, #tpu.memory_space<vmem>>)
    %dma_start3A_104 = arith.constant 1 : i32
    %dma_start3A_105 = arith.constant 0 : i32
    %dma_start3A_106 = tpu.memref_slice %arg7[%dma_start3A_104, %dma_start3A_105] : memref<125x80xi32, #tpu.memory_space<vmem>> -> memref<1x80xi32, #tpu.memory_space<vmem>>
    %dma_start3A_107 = tpu.memref_squeeze %dma_start3A_106 : memref<1x80xi32, #tpu.memory_space<vmem>> -> memref<80xi32, #tpu.memory_space<vmem>>
    %dma_start3A_108 = arith.constant 0 : i32
    %dma_start3A_109 = arith.constant 0 : i32
    %dma_start3A_110 = tpu.memref_slice %arg19[%dma_start3A_108, %dma_start3A_109] : memref<10000x64xf32, #tpu.memory_space<vmem_shared>> -> memref<10000x64xf32, #tpu.memory_space<vmem_shared>>
    tpu.enqueue_indirect_dma source(%arg9 : memref<80x64xf32, #tpu.memory_space<vmem>>) target(%dma_start3A_110 : memref<10000x64xf32, #tpu.memory_space<vmem_shared>>) offsets(%dma_start3A_107 : memref<80xi32, #tpu.memory_space<vmem>>) semaphore(%arg31 : memref<!tpu.dma_semaphore, #tpu.memory_space<semaphore_mem>>) {add = true}
    %dma_start3A_111 = arith.constant 6 : i32
    %dma_start3A_112 = arith.constant 0 : i32
    %dma_start3A_113 = tpu.memref_slice %arg6[%dma_start3A_111, %dma_start3A_112] : memref<125x80xi32, #tpu.memory_space<vmem>> -> memref<1x80xi32, #tpu.memory_space<vmem>>
    %dma_start3A_114 = tpu.memref_squeeze %dma_start3A_113 : memref<1x80xi32, #tpu.memory_space<vmem>> -> memref<80xi32, #tpu.memory_space<vmem>>
    %dma_start3A_115 = arith.constant 0 : i32
    %dma_start3A_116 = arith.constant 0 : i32
    %dma_start3A_117 = tpu.memref_slice %arg2[%dma_start3A_115, %dma_start3A_116] : memref<20000x64xf32, #tpu.memory_space<hbm>> -> memref<20000x64xf32, #tpu.memory_space<hbm>>
    tpu.enqueue_indirect_dma source(%dma_start3A_117 : memref<20000x64xf32, #tpu.memory_space<hbm>>) target(%arg14 : memref<80x64xf32, #tpu.memory_space<vmem>>) offsets(%dma_start3A_114 : memref<80xi32, #tpu.memory_space<vmem>>) semaphore(%arg26 : memref<!tpu.dma_semaphore, #tpu.memory_space<semaphore_mem>>)
    %dma_wait3A_118 = arith.constant 0 : i32
    %dma_wait3A_119 = arith.constant 0 : i32
    %dma_wait3A_120 = tpu.memref_slice %arg6[%dma_wait3A_118, %dma_wait3A_119] : memref<125x80xi32, #tpu.memory_space<vmem>> -> memref<1x80xi32, #tpu.memory_space<vmem>>
    %dma_wait3A_121 = tpu.memref_squeeze %dma_wait3A_120 : memref<1x80xi32, #tpu.memory_space<vmem>> -> memref<80xi32, #tpu.memory_space<vmem>>
    %dma_wait3A_122 = arith.constant 0 : i32
    %dma_wait3A_123 = arith.constant 0 : i32
    %dma_wait3A_124 = tpu.memref_slice %arg2[%dma_wait3A_122, %dma_wait3A_123] : memref<20000x64xf32, #tpu.memory_space<hbm>> -> memref<20000x64xf32, #tpu.memory_space<hbm>>
    tpu.wait_indirect_dma semaphore(%arg22 : memref<!tpu.dma_semaphore, #tpu.memory_space<semaphore_mem>>) src(%dma_wait3A_124 : memref<20000x64xf32, #tpu.memory_space<hbm>>) dst(%arg10 : memref<80x64xf32, #tpu.memory_space<vmem>>)
    %dma_start3A_125 = arith.constant 2 : i32
    %dma_start3A_126 = arith.constant 0 : i32
    %dma_start3A_127 = tpu.memref_slice %arg7[%dma_start3A_125, %dma_start3A_126] : memref<125x80xi32, #tpu.memory_space<vmem>> -> memref<1x80xi32, #tpu.memory_space<vmem>>
    %dma_start3A_128 = tpu.memref_squeeze %dma_start3A_127 : memref<1x80xi32, #tpu.memory_space<vmem>> -> memref<80xi32, #tpu.memory_space<vmem>>
    %dma_start3A_129 = arith.constant 0 : i32
    %dma_start3A_130 = arith.constant 0 : i32
    %dma_start3A_131 = tpu.memref_slice %arg19[%dma_start3A_129, %dma_start3A_130] : memref<10000x64xf32, #tpu.memory_space<vmem_shared>> -> memref<10000x64xf32, #tpu.memory_space<vmem_shared>>
    tpu.enqueue_indirect_dma source(%arg10 : memref<80x64xf32, #tpu.memory_space<vmem>>) target(%dma_start3A_131 : memref<10000x64xf32, #tpu.memory_space<vmem_shared>>) offsets(%dma_start3A_128 : memref<80xi32, #tpu.memory_space<vmem>>) semaphore(%arg32 : memref<!tpu.dma_semaphore, #tpu.memory_space<semaphore_mem>>) {add = true}
    %dma_start3A_132 = arith.constant 7 : i32
    %dma_start3A_133 = arith.constant 0 : i32
    %dma_start3A_134 = tpu.memref_slice %arg6[%dma_start3A_132, %dma_start3A_133] : memref<125x80xi32, #tpu.memory_space<vmem>> -> memref<1x80xi32, #tpu.memory_space<vmem>>
    %dma_start3A_135 = tpu.memref_squeeze %dma_start3A_134 : memref<1x80xi32, #tpu.memory_space<vmem>> -> memref<80xi32, #tpu.memory_space<vmem>>
    %dma_start3A_136 = arith.constant 0 : i32
    %dma_start3A_137 = arith.constant 0 : i32
    %dma_start3A_138 = tpu.memref_slice %arg2[%dma_start3A_136, %dma_start3A_137] : memref<20000x64xf32, #tpu.memory_space<hbm>> -> memref<20000x64xf32, #tpu.memory_space<hbm>>
    tpu.enqueue_indirect_dma source(%dma_start3A_138 : memref<20000x64xf32, #tpu.memory_space<hbm>>) target(%arg15 : memref<80x64xf32, #tpu.memory_space<vmem>>) offsets(%dma_start3A_135 : memref<80xi32, #tpu.memory_space<vmem>>) semaphore(%arg27 : memref<!tpu.dma_semaphore, #tpu.memory_space<semaphore_mem>>)
    %dma_wait3A_139 = arith.constant 0 : i32
    %dma_wait3A_140 = arith.constant 0 : i32
    %dma_wait3A_141 = tpu.memref_slice %arg6[%dma_wait3A_139, %dma_wait3A_140] : memref<125x80xi32, #tpu.memory_space<vmem>> -> memref<1x80xi32, #tpu.memory_space<vmem>>
    %dma_wait3A_142 = tpu.memref_squeeze %dma_wait3A_141 : memref<1x80xi32, #tpu.memory_space<vmem>> -> memref<80xi32, #tpu.memory_space<vmem>>
    %dma_wait3A_143 = arith.constant 0 : i32
    %dma_wait3A_144 = arith.constant 0 : i32
    %dma_wait3A_145 = tpu.memref_slice %arg2[%dma_wait3A_143, %dma_wait3A_144] : memref<20000x64xf32, #tpu.memory_space<hbm>> -> memref<20000x64xf32, #tpu.memory_space<hbm>>
    tpu.wait_indirect_dma semaphore(%arg23 : memref<!tpu.dma_semaphore, #tpu.memory_space<semaphore_mem>>) src(%dma_wait3A_145 : memref<20000x64xf32, #tpu.memory_space<hbm>>) dst(%arg11 : memref<80x64xf32, #tpu.memory_space<vmem>>)
    %dma_start3A_146 = arith.constant 3 : i32
    %dma_start3A_147 = arith.constant 0 : i32
    %dma_start3A_148 = tpu.memref_slice %arg7[%dma_start3A_146, %dma_start3A_147] : memref<125x80xi32, #tpu.memory_space<vmem>> -> memref<1x80xi32, #tpu.memory_space<vmem>>
    %dma_start3A_149 = tpu.memref_squeeze %dma_start3A_148 : memref<1x80xi32, #tpu.memory_space<vmem>> -> memref<80xi32, #tpu.memory_space<vmem>>
    %dma_start3A_150 = arith.constant 0 : i32
    %dma_start3A_151 = arith.constant 0 : i32
    %dma_start3A_152 = tpu.memref_slice %arg19[%dma_start3A_150, %dma_start3A_151] : memref<10000x64xf32, #tpu.memory_space<vmem_shared>> -> memref<10000x64xf32, #tpu.memory_space<vmem_shared>>
    tpu.enqueue_indirect_dma source(%arg11 : memref<80x64xf32, #tpu.memory_space<vmem>>) target(%dma_start3A_152 : memref<10000x64xf32, #tpu.memory_space<vmem_shared>>) offsets(%dma_start3A_149 : memref<80xi32, #tpu.memory_space<vmem>>) semaphore(%arg33 : memref<!tpu.dma_semaphore, #tpu.memory_space<semaphore_mem>>) {add = true}
    %dma_start3A_153 = arith.constant 8 : i32
    %dma_start3A_154 = arith.constant 0 : i32
    %dma_start3A_155 = tpu.memref_slice %arg6[%dma_start3A_153, %dma_start3A_154] : memref<125x80xi32, #tpu.memory_space<vmem>> -> memref<1x80xi32, #tpu.memory_space<vmem>>
    %dma_start3A_156 = tpu.memref_squeeze %dma_start3A_155 : memref<1x80xi32, #tpu.memory_space<vmem>> -> memref<80xi32, #tpu.memory_space<vmem>>
    %dma_start3A_157 = arith.constant 0 : i32
    %dma_start3A_158 = arith.constant 0 : i32
    %dma_start3A_159 = tpu.memref_slice %arg2[%dma_start3A_157, %dma_start3A_158] : memref<20000x64xf32, #tpu.memory_space<hbm>> -> memref<20000x64xf32, #tpu.memory_space<hbm>>
    tpu.enqueue_indirect_dma source(%dma_start3A_159 : memref<20000x64xf32, #tpu.memory_space<hbm>>) target(%arg16 : memref<80x64xf32, #tpu.memory_space<vmem>>) offsets(%dma_start3A_156 : memref<80xi32, #tpu.memory_space<vmem>>) semaphore(%arg28 : memref<!tpu.dma_semaphore, #tpu.memory_space<semaphore_mem>>)
    %dma_wait3A_160 = arith.constant 0 : i32
    %dma_wait3A_161 = arith.constant 0 : i32
    %dma_wait3A_162 = tpu.memref_slice %arg6[%dma_wait3A_160, %dma_wait3A_161] : memref<125x80xi32, #tpu.memory_space<vmem>> -> memref<1x80xi32, #tpu.memory_space<vmem>>
    %dma_wait3A_163 = tpu.memref_squeeze %dma_wait3A_162 : memref<1x80xi32, #tpu.memory_space<vmem>> -> memref<80xi32, #tpu.memory_space<vmem>>
    %dma_wait3A_164 = arith.constant 0 : i32
    %dma_wait3A_165 = arith.constant 0 : i32
    %dma_wait3A_166 = tpu.memref_slice %arg2[%dma_wait3A_164, %dma_wait3A_165] : memref<20000x64xf32, #tpu.memory_space<hbm>> -> memref<20000x64xf32, #tpu.memory_space<hbm>>
    tpu.wait_indirect_dma semaphore(%arg24 : memref<!tpu.dma_semaphore, #tpu.memory_space<semaphore_mem>>) src(%dma_wait3A_166 : memref<20000x64xf32, #tpu.memory_space<hbm>>) dst(%arg12 : memref<80x64xf32, #tpu.memory_space<vmem>>)
    %dma_start3A_167 = arith.constant 4 : i32
    %dma_start3A_168 = arith.constant 0 : i32
    %dma_start3A_169 = tpu.memref_slice %arg7[%dma_start3A_167, %dma_start3A_168] : memref<125x80xi32, #tpu.memory_space<vmem>> -> memref<1x80xi32, #tpu.memory_space<vmem>>
    %dma_start3A_170 = tpu.memref_squeeze %dma_start3A_169 : memref<1x80xi32, #tpu.memory_space<vmem>> -> memref<80xi32, #tpu.memory_space<vmem>>
    %dma_start3A_171 = arith.constant 0 : i32
    %dma_start3A_172 = arith.constant 0 : i32
    %dma_start3A_173 = tpu.memref_slice %arg19[%dma_start3A_171, %dma_start3A_172] : memref<10000x64xf32, #tpu.memory_space<vmem_shared>> -> memref<10000x64xf32, #tpu.memory_space<vmem_shared>>
    tpu.enqueue_indirect_dma source(%arg12 : memref<80x64xf32, #tpu.memory_space<vmem>>) target(%dma_start3A_173 : memref<10000x64xf32, #tpu.memory_space<vmem_shared>>) offsets(%dma_start3A_170 : memref<80xi32, #tpu.memory_space<vmem>>) semaphore(%arg34 : memref<!tpu.dma_semaphore, #tpu.memory_space<semaphore_mem>>) {add = true}
    %dma_start3A_174 = arith.constant 9 : i32
    %dma_start3A_175 = arith.constant 0 : i32
    %dma_start3A_176 = tpu.memref_slice %arg6[%dma_start3A_174, %dma_start3A_175] : memref<125x80xi32, #tpu.memory_space<vmem>> -> memref<1x80xi32, #tpu.memory_space<vmem>>
    %dma_start3A_177 = tpu.memref_squeeze %dma_start3A_176 : memref<1x80xi32, #tpu.memory_space<vmem>> -> memref<80xi32, #tpu.memory_space<vmem>>
    %dma_start3A_178 = arith.constant 0 : i32
    %dma_start3A_179 = arith.constant 0 : i32
    %dma_start3A_180 = tpu.memref_slice %arg2[%dma_start3A_178, %dma_start3A_179] : memref<20000x64xf32, #tpu.memory_space<hbm>> -> memref<20000x64xf32, #tpu.memory_space<hbm>>
    tpu.enqueue_indirect_dma source(%dma_start3A_180 : memref<20000x64xf32, #tpu.memory_space<hbm>>) target(%arg17 : memref<80x64xf32, #tpu.memory_space<vmem>>) offsets(%dma_start3A_177 : memref<80xi32, #tpu.memory_space<vmem>>) semaphore(%arg29 : memref<!tpu.dma_semaphore, #tpu.memory_space<semaphore_mem>>)
    %scan3A_181 = arith.constant 0 : i32
    %scan3A_182 = arith.constant 11 : i32
    %scan3A_183 = arith.addi %scan3A_181, %scan3A_182 : i32
    %scan3A_184 = arith.constant 1 : i32
    scf.for %scan3A_471 = %scan3A_181 to %scan3A_183 step %scan3A_184  : i32 {
      %mul3A_472 = arith.constant 10 : i32
      %mul3A_473 = arith.muli %scan3A_471, %mul3A_472 : i32
      %add3A_474 = arith.constant 5 : i32
      %add3A_475 = arith.addi %add3A_474, %mul3A_473 : i32
      %dma_wait3A_476 = arith.constant 0 : i32
      %dma_wait3A_477 = arith.constant 0 : i32
      %dma_wait3A_478 = tpu.memref_slice %arg6[%dma_wait3A_476, %dma_wait3A_477] : memref<125x80xi32, #tpu.memory_space<vmem>> -> memref<1x80xi32, #tpu.memory_space<vmem>>
      %dma_wait3A_479 = tpu.memref_squeeze %dma_wait3A_478 : memref<1x80xi32, #tpu.memory_space<vmem>> -> memref<80xi32, #tpu.memory_space<vmem>>
      %dma_wait3A_480 = arith.constant 0 : i32
      %dma_wait3A_481 = arith.constant 0 : i32
      %dma_wait3A_482 = tpu.memref_slice %arg2[%dma_wait3A_480, %dma_wait3A_481] : memref<20000x64xf32, #tpu.memory_space<hbm>> -> memref<20000x64xf32, #tpu.memory_space<hbm>>
      tpu.wait_indirect_dma semaphore(%arg25 : memref<!tpu.dma_semaphore, #tpu.memory_space<semaphore_mem>>) src(%dma_wait3A_482 : memref<20000x64xf32, #tpu.memory_space<hbm>>) dst(%arg13 : memref<80x64xf32, #tpu.memory_space<vmem>>)
      %add3A_483 = arith.constant 0 : i32
      %add3A_484 = arith.addi %add3A_475, %add3A_483 : i32
      %dma_start3A_485 = arith.constant 0 : i32
      %dma_start3A_486 = tpu.memref_slice %arg7[%add3A_484, %dma_start3A_485] : memref<125x80xi32, #tpu.memory_space<vmem>> -> memref<1x80xi32, #tpu.memory_space<vmem>>
      %dma_start3A_487 = tpu.memref_squeeze %dma_start3A_486 : memref<1x80xi32, #tpu.memory_space<vmem>> -> memref<80xi32, #tpu.memory_space<vmem>>
      %dma_start3A_488 = arith.constant 0 : i32
      %dma_start3A_489 = arith.constant 0 : i32
      %dma_start3A_490 = tpu.memref_slice %arg19[%dma_start3A_488, %dma_start3A_489] : memref<10000x64xf32, #tpu.memory_space<vmem_shared>> -> memref<10000x64xf32, #tpu.memory_space<vmem_shared>>
      tpu.enqueue_indirect_dma source(%arg13 : memref<80x64xf32, #tpu.memory_space<vmem>>) target(%dma_start3A_490 : memref<10000x64xf32, #tpu.memory_space<vmem_shared>>) offsets(%dma_start3A_487 : memref<80xi32, #tpu.memory_space<vmem>>) semaphore(%arg35 : memref<!tpu.dma_semaphore, #tpu.memory_space<semaphore_mem>>) {add = true}
      %dma_wait3A_491 = arith.constant 0 : i32
      %dma_wait3A_492 = arith.constant 0 : i32
      %dma_wait3A_493 = tpu.memref_slice %arg7[%dma_wait3A_491, %dma_wait3A_492] : memref<125x80xi32, #tpu.memory_space<vmem>> -> memref<1x80xi32, #tpu.memory_space<vmem>>
      %dma_wait3A_494 = tpu.memref_squeeze %dma_wait3A_493 : memref<1x80xi32, #tpu.memory_space<vmem>> -> memref<80xi32, #tpu.memory_space<vmem>>
      %dma_wait3A_495 = arith.constant 0 : i32
      %dma_wait3A_496 = arith.constant 0 : i32
      %dma_wait3A_497 = tpu.memref_slice %arg19[%dma_wait3A_495, %dma_wait3A_496] : memref<10000x64xf32, #tpu.memory_space<vmem_shared>> -> memref<10000x64xf32, #tpu.memory_space<vmem_shared>>
      tpu.wait_indirect_dma semaphore(%arg30 : memref<!tpu.dma_semaphore, #tpu.memory_space<semaphore_mem>>) src(%arg8 : memref<80x64xf32, #tpu.memory_space<vmem>>) dst(%dma_wait3A_497 : memref<10000x64xf32, #tpu.memory_space<vmem_shared>>)
      %add3A_498 = arith.constant 0 : i32
      %add3A_499 = arith.addi %add3A_475, %add3A_498 : i32
      %add3A_500 = arith.constant 5 : i32
      %add3A_501 = arith.addi %add3A_499, %add3A_500 : i32
      %dma_start3A_502 = arith.constant 0 : i32
      %dma_start3A_503 = tpu.memref_slice %arg6[%add3A_501, %dma_start3A_502] : memref<125x80xi32, #tpu.memory_space<vmem>> -> memref<1x80xi32, #tpu.memory_space<vmem>>
      %dma_start3A_504 = tpu.memref_squeeze %dma_start3A_503 : memref<1x80xi32, #tpu.memory_space<vmem>> -> memref<80xi32, #tpu.memory_space<vmem>>
      %dma_start3A_505 = arith.constant 0 : i32
      %dma_start3A_506 = arith.constant 0 : i32
      %dma_start3A_507 = tpu.memref_slice %arg2[%dma_start3A_505, %dma_start3A_506] : memref<20000x64xf32, #tpu.memory_space<hbm>> -> memref<20000x64xf32, #tpu.memory_space<hbm>>
      tpu.enqueue_indirect_dma source(%dma_start3A_507 : memref<20000x64xf32, #tpu.memory_space<hbm>>) target(%arg8 : memref<80x64xf32, #tpu.memory_space<vmem>>) offsets(%dma_start3A_504 : memref<80xi32, #tpu.memory_space<vmem>>) semaphore(%arg20 : memref<!tpu.dma_semaphore, #tpu.memory_space<semaphore_mem>>)
      %dma_wait3A_508 = arith.constant 0 : i32
      %dma_wait3A_509 = arith.constant 0 : i32
      %dma_wait3A_510 = tpu.memref_slice %arg6[%dma_wait3A_508, %dma_wait3A_509] : memref<125x80xi32, #tpu.memory_space<vmem>> -> memref<1x80xi32, #tpu.memory_space<vmem>>
      %dma_wait3A_511 = tpu.memref_squeeze %dma_wait3A_510 : memref<1x80xi32, #tpu.memory_space<vmem>> -> memref<80xi32, #tpu.memory_space<vmem>>
      %dma_wait3A_512 = arith.constant 0 : i32
      %dma_wait3A_513 = arith.constant 0 : i32
      %dma_wait3A_514 = tpu.memref_slice %arg2[%dma_wait3A_512, %dma_wait3A_513] : memref<20000x64xf32, #tpu.memory_space<hbm>> -> memref<20000x64xf32, #tpu.memory_space<hbm>>
      tpu.wait_indirect_dma semaphore(%arg26 : memref<!tpu.dma_semaphore, #tpu.memory_space<semaphore_mem>>) src(%dma_wait3A_514 : memref<20000x64xf32, #tpu.memory_space<hbm>>) dst(%arg14 : memref<80x64xf32, #tpu.memory_space<vmem>>)
      %add3A_515 = arith.constant 1 : i32
      %add3A_516 = arith.addi %add3A_475, %add3A_515 : i32
      %dma_start3A_517 = arith.constant 0 : i32
      %dma_start3A_518 = tpu.memref_slice %arg7[%add3A_516, %dma_start3A_517] : memref<125x80xi32, #tpu.memory_space<vmem>> -> memref<1x80xi32, #tpu.memory_space<vmem>>
      %dma_start3A_519 = tpu.memref_squeeze %dma_start3A_518 : memref<1x80xi32, #tpu.memory_space<vmem>> -> memref<80xi32, #tpu.memory_space<vmem>>
      %dma_start3A_520 = arith.constant 0 : i32
      %dma_start3A_521 = arith.constant 0 : i32
      %dma_start3A_522 = tpu.memref_slice %arg19[%dma_start3A_520, %dma_start3A_521] : memref<10000x64xf32, #tpu.memory_space<vmem_shared>> -> memref<10000x64xf32, #tpu.memory_space<vmem_shared>>
      tpu.enqueue_indirect_dma source(%arg14 : memref<80x64xf32, #tpu.memory_space<vmem>>) target(%dma_start3A_522 : memref<10000x64xf32, #tpu.memory_space<vmem_shared>>) offsets(%dma_start3A_519 : memref<80xi32, #tpu.memory_space<vmem>>) semaphore(%arg36 : memref<!tpu.dma_semaphore, #tpu.memory_space<semaphore_mem>>) {add = true}
      %dma_wait3A_523 = arith.constant 0 : i32
      %dma_wait3A_524 = arith.constant 0 : i32
      %dma_wait3A_525 = tpu.memref_slice %arg7[%dma_wait3A_523, %dma_wait3A_524] : memref<125x80xi32, #tpu.memory_space<vmem>> -> memref<1x80xi32, #tpu.memory_space<vmem>>
      %dma_wait3A_526 = tpu.memref_squeeze %dma_wait3A_525 : memref<1x80xi32, #tpu.memory_space<vmem>> -> memref<80xi32, #tpu.memory_space<vmem>>
      %dma_wait3A_527 = arith.constant 0 : i32
      %dma_wait3A_528 = arith.constant 0 : i32
      %dma_wait3A_529 = tpu.memref_slice %arg19[%dma_wait3A_527, %dma_wait3A_528] : memref<10000x64xf32, #tpu.memory_space<vmem_shared>> -> memref<10000x64xf32, #tpu.memory_space<vmem_shared>>
      tpu.wait_indirect_dma semaphore(%arg31 : memref<!tpu.dma_semaphore, #tpu.memory_space<semaphore_mem>>) src(%arg9 : memref<80x64xf32, #tpu.memory_space<vmem>>) dst(%dma_wait3A_529 : memref<10000x64xf32, #tpu.memory_space<vmem_shared>>)
      %add3A_530 = arith.constant 1 : i32
      %add3A_531 = arith.addi %add3A_475, %add3A_530 : i32
      %add3A_532 = arith.constant 5 : i32
      %add3A_533 = arith.addi %add3A_531, %add3A_532 : i32
      %dma_start3A_534 = arith.constant 0 : i32
      %dma_start3A_535 = tpu.memref_slice %arg6[%add3A_533, %dma_start3A_534] : memref<125x80xi32, #tpu.memory_space<vmem>> -> memref<1x80xi32, #tpu.memory_space<vmem>>
      %dma_start3A_536 = tpu.memref_squeeze %dma_start3A_535 : memref<1x80xi32, #tpu.memory_space<vmem>> -> memref<80xi32, #tpu.memory_space<vmem>>
      %dma_start3A_537 = arith.constant 0 : i32
      %dma_start3A_538 = arith.constant 0 : i32
      %dma_start3A_539 = tpu.memref_slice %arg2[%dma_start3A_537, %dma_start3A_538] : memref<20000x64xf32, #tpu.memory_space<hbm>> -> memref<20000x64xf32, #tpu.memory_space<hbm>>
      tpu.enqueue_indirect_dma source(%dma_start3A_539 : memref<20000x64xf32, #tpu.memory_space<hbm>>) target(%arg9 : memref<80x64xf32, #tpu.memory_space<vmem>>) offsets(%dma_start3A_536 : memref<80xi32, #tpu.memory_space<vmem>>) semaphore(%arg21 : memref<!tpu.dma_semaphore, #tpu.memory_space<semaphore_mem>>)
      %dma_wait3A_540 = arith.constant 0 : i32
      %dma_wait3A_541 = arith.constant 0 : i32
      %dma_wait3A_542 = tpu.memref_slice %arg6[%dma_wait3A_540, %dma_wait3A_541] : memref<125x80xi32, #tpu.memory_space<vmem>> -> memref<1x80xi32, #tpu.memory_space<vmem>>
      %dma_wait3A_543 = tpu.memref_squeeze %dma_wait3A_542 : memref<1x80xi32, #tpu.memory_space<vmem>> -> memref<80xi32, #tpu.memory_space<vmem>>
      %dma_wait3A_544 = arith.constant 0 : i32
      %dma_wait3A_545 = arith.constant 0 : i32
      %dma_wait3A_546 = tpu.memref_slice %arg2[%dma_wait3A_544, %dma_wait3A_545] : memref<20000x64xf32, #tpu.memory_space<hbm>> -> memref<20000x64xf32, #tpu.memory_space<hbm>>
      tpu.wait_indirect_dma semaphore(%arg27 : memref<!tpu.dma_semaphore, #tpu.memory_space<semaphore_mem>>) src(%dma_wait3A_546 : memref<20000x64xf32, #tpu.memory_space<hbm>>) dst(%arg15 : memref<80x64xf32, #tpu.memory_space<vmem>>)
      %add3A_547 = arith.constant 2 : i32
      %add3A_548 = arith.addi %add3A_475, %add3A_547 : i32
      %dma_start3A_549 = arith.constant 0 : i32
      %dma_start3A_550 = tpu.memref_slice %arg7[%add3A_548, %dma_start3A_549] : memref<125x80xi32, #tpu.memory_space<vmem>> -> memref<1x80xi32, #tpu.memory_space<vmem>>
      %dma_start3A_551 = tpu.memref_squeeze %dma_start3A_550 : memref<1x80xi32, #tpu.memory_space<vmem>> -> memref<80xi32, #tpu.memory_space<vmem>>
      %dma_start3A_552 = arith.constant 0 : i32
      %dma_start3A_553 = arith.constant 0 : i32
      %dma_start3A_554 = tpu.memref_slice %arg19[%dma_start3A_552, %dma_start3A_553] : memref<10000x64xf32, #tpu.memory_space<vmem_shared>> -> memref<10000x64xf32, #tpu.memory_space<vmem_shared>>
      tpu.enqueue_indirect_dma source(%arg15 : memref<80x64xf32, #tpu.memory_space<vmem>>) target(%dma_start3A_554 : memref<10000x64xf32, #tpu.memory_space<vmem_shared>>) offsets(%dma_start3A_551 : memref<80xi32, #tpu.memory_space<vmem>>) semaphore(%arg37 : memref<!tpu.dma_semaphore, #tpu.memory_space<semaphore_mem>>) {add = true}
      %dma_wait3A_555 = arith.constant 0 : i32
      %dma_wait3A_556 = arith.constant 0 : i32
      %dma_wait3A_557 = tpu.memref_slice %arg7[%dma_wait3A_555, %dma_wait3A_556] : memref<125x80xi32, #tpu.memory_space<vmem>> -> memref<1x80xi32, #tpu.memory_space<vmem>>
      %dma_wait3A_558 = tpu.memref_squeeze %dma_wait3A_557 : memref<1x80xi32, #tpu.memory_space<vmem>> -> memref<80xi32, #tpu.memory_space<vmem>>
      %dma_wait3A_559 = arith.constant 0 : i32
      %dma_wait3A_560 = arith.constant 0 : i32
      %dma_wait3A_561 = tpu.memref_slice %arg19[%dma_wait3A_559, %dma_wait3A_560] : memref<10000x64xf32, #tpu.memory_space<vmem_shared>> -> memref<10000x64xf32, #tpu.memory_space<vmem_shared>>
      tpu.wait_indirect_dma semaphore(%arg32 : memref<!tpu.dma_semaphore, #tpu.memory_space<semaphore_mem>>) src(%arg10 : memref<80x64xf32, #tpu.memory_space<vmem>>) dst(%dma_wait3A_561 : memref<10000x64xf32, #tpu.memory_space<vmem_shared>>)
      %add3A_562 = arith.constant 2 : i32
      %add3A_563 = arith.addi %add3A_475, %add3A_562 : i32
      %add3A_564 = arith.constant 5 : i32
      %add3A_565 = arith.addi %add3A_563, %add3A_564 : i32
      %dma_start3A_566 = arith.constant 0 : i32
      %dma_start3A_567 = tpu.memref_slice %arg6[%add3A_565, %dma_start3A_566] : memref<125x80xi32, #tpu.memory_space<vmem>> -> memref<1x80xi32, #tpu.memory_space<vmem>>
      %dma_start3A_568 = tpu.memref_squeeze %dma_start3A_567 : memref<1x80xi32, #tpu.memory_space<vmem>> -> memref<80xi32, #tpu.memory_space<vmem>>
      %dma_start3A_569 = arith.constant 0 : i32
      %dma_start3A_570 = arith.constant 0 : i32
      %dma_start3A_571 = tpu.memref_slice %arg2[%dma_start3A_569, %dma_start3A_570] : memref<20000x64xf32, #tpu.memory_space<hbm>> -> memref<20000x64xf32, #tpu.memory_space<hbm>>
      tpu.enqueue_indirect_dma source(%dma_start3A_571 : memref<20000x64xf32, #tpu.memory_space<hbm>>) target(%arg10 : memref<80x64xf32, #tpu.memory_space<vmem>>) offsets(%dma_start3A_568 : memref<80xi32, #tpu.memory_space<vmem>>) semaphore(%arg22 : memref<!tpu.dma_semaphore, #tpu.memory_space<semaphore_mem>>)
      %dma_wait3A_572 = arith.constant 0 : i32
      %dma_wait3A_573 = arith.constant 0 : i32
      %dma_wait3A_574 = tpu.memref_slice %arg6[%dma_wait3A_572, %dma_wait3A_573] : memref<125x80xi32, #tpu.memory_space<vmem>> -> memref<1x80xi32, #tpu.memory_space<vmem>>
      %dma_wait3A_575 = tpu.memref_squeeze %dma_wait3A_574 : memref<1x80xi32, #tpu.memory_space<vmem>> -> memref<80xi32, #tpu.memory_space<vmem>>
      %dma_wait3A_576 = arith.constant 0 : i32
      %dma_wait3A_577 = arith.constant 0 : i32
      %dma_wait3A_578 = tpu.memref_slice %arg2[%dma_wait3A_576, %dma_wait3A_577] : memref<20000x64xf32, #tpu.memory_space<hbm>> -> memref<20000x64xf32, #tpu.memory_space<hbm>>
      tpu.wait_indirect_dma semaphore(%arg28 : memref<!tpu.dma_semaphore, #tpu.memory_space<semaphore_mem>>) src(%dma_wait3A_578 : memref<20000x64xf32, #tpu.memory_space<hbm>>) dst(%arg16 : memref<80x64xf32, #tpu.memory_space<vmem>>)
      %add3A_579 = arith.constant 3 : i32
      %add3A_580 = arith.addi %add3A_475, %add3A_579 : i32
      %dma_start3A_581 = arith.constant 0 : i32
      %dma_start3A_582 = tpu.memref_slice %arg7[%add3A_580, %dma_start3A_581] : memref<125x80xi32, #tpu.memory_space<vmem>> -> memref<1x80xi32, #tpu.memory_space<vmem>>
      %dma_start3A_583 = tpu.memref_squeeze %dma_start3A_582 : memref<1x80xi32, #tpu.memory_space<vmem>> -> memref<80xi32, #tpu.memory_space<vmem>>
      %dma_start3A_584 = arith.constant 0 : i32
      %dma_start3A_585 = arith.constant 0 : i32
      %dma_start3A_586 = tpu.memref_slice %arg19[%dma_start3A_584, %dma_start3A_585] : memref<10000x64xf32, #tpu.memory_space<vmem_shared>> -> memref<10000x64xf32, #tpu.memory_space<vmem_shared>>
      tpu.enqueue_indirect_dma source(%arg16 : memref<80x64xf32, #tpu.memory_space<vmem>>) target(%dma_start3A_586 : memref<10000x64xf32, #tpu.memory_space<vmem_shared>>) offsets(%dma_start3A_583 : memref<80xi32, #tpu.memory_space<vmem>>) semaphore(%arg38 : memref<!tpu.dma_semaphore, #tpu.memory_space<semaphore_mem>>) {add = true}
      %dma_wait3A_587 = arith.constant 0 : i32
      %dma_wait3A_588 = arith.constant 0 : i32
      %dma_wait3A_589 = tpu.memref_slice %arg7[%dma_wait3A_587, %dma_wait3A_588] : memref<125x80xi32, #tpu.memory_space<vmem>> -> memref<1x80xi32, #tpu.memory_space<vmem>>
      %dma_wait3A_590 = tpu.memref_squeeze %dma_wait3A_589 : memref<1x80xi32, #tpu.memory_space<vmem>> -> memref<80xi32, #tpu.memory_space<vmem>>
      %dma_wait3A_591 = arith.constant 0 : i32
      %dma_wait3A_592 = arith.constant 0 : i32
      %dma_wait3A_593 = tpu.memref_slice %arg19[%dma_wait3A_591, %dma_wait3A_592] : memref<10000x64xf32, #tpu.memory_space<vmem_shared>> -> memref<10000x64xf32, #tpu.memory_space<vmem_shared>>
      tpu.wait_indirect_dma semaphore(%arg33 : memref<!tpu.dma_semaphore, #tpu.memory_space<semaphore_mem>>) src(%arg11 : memref<80x64xf32, #tpu.memory_space<vmem>>) dst(%dma_wait3A_593 : memref<10000x64xf32, #tpu.memory_space<vmem_shared>>)
      %add3A_594 = arith.constant 3 : i32
      %add3A_595 = arith.addi %add3A_475, %add3A_594 : i32
      %add3A_596 = arith.constant 5 : i32
      %add3A_597 = arith.addi %add3A_595, %add3A_596 : i32
      %dma_start3A_598 = arith.constant 0 : i32
      %dma_start3A_599 = tpu.memref_slice %arg6[%add3A_597, %dma_start3A_598] : memref<125x80xi32, #tpu.memory_space<vmem>> -> memref<1x80xi32, #tpu.memory_space<vmem>>
      %dma_start3A_600 = tpu.memref_squeeze %dma_start3A_599 : memref<1x80xi32, #tpu.memory_space<vmem>> -> memref<80xi32, #tpu.memory_space<vmem>>
      %dma_start3A_601 = arith.constant 0 : i32
      %dma_start3A_602 = arith.constant 0 : i32
      %dma_start3A_603 = tpu.memref_slice %arg2[%dma_start3A_601, %dma_start3A_602] : memref<20000x64xf32, #tpu.memory_space<hbm>> -> memref<20000x64xf32, #tpu.memory_space<hbm>>
      tpu.enqueue_indirect_dma source(%dma_start3A_603 : memref<20000x64xf32, #tpu.memory_space<hbm>>) target(%arg11 : memref<80x64xf32, #tpu.memory_space<vmem>>) offsets(%dma_start3A_600 : memref<80xi32, #tpu.memory_space<vmem>>) semaphore(%arg23 : memref<!tpu.dma_semaphore, #tpu.memory_space<semaphore_mem>>)
      %dma_wait3A_604 = arith.constant 0 : i32
      %dma_wait3A_605 = arith.constant 0 : i32
      %dma_wait3A_606 = tpu.memref_slice %arg6[%dma_wait3A_604, %dma_wait3A_605] : memref<125x80xi32, #tpu.memory_space<vmem>> -> memref<1x80xi32, #tpu.memory_space<vmem>>
      %dma_wait3A_607 = tpu.memref_squeeze %dma_wait3A_606 : memref<1x80xi32, #tpu.memory_space<vmem>> -> memref<80xi32, #tpu.memory_space<vmem>>
      %dma_wait3A_608 = arith.constant 0 : i32
      %dma_wait3A_609 = arith.constant 0 : i32
      %dma_wait3A_610 = tpu.memref_slice %arg2[%dma_wait3A_608, %dma_wait3A_609] : memref<20000x64xf32, #tpu.memory_space<hbm>> -> memref<20000x64xf32, #tpu.memory_space<hbm>>
      tpu.wait_indirect_dma semaphore(%arg29 : memref<!tpu.dma_semaphore, #tpu.memory_space<semaphore_mem>>) src(%dma_wait3A_610 : memref<20000x64xf32, #tpu.memory_space<hbm>>) dst(%arg17 : memref<80x64xf32, #tpu.memory_space<vmem>>)
      %add3A_611 = arith.constant 4 : i32
      %add3A_612 = arith.addi %add3A_475, %add3A_611 : i32
      %dma_start3A_613 = arith.constant 0 : i32
      %dma_start3A_614 = tpu.memref_slice %arg7[%add3A_612, %dma_start3A_613] : memref<125x80xi32, #tpu.memory_space<vmem>> -> memref<1x80xi32, #tpu.memory_space<vmem>>
      %dma_start3A_615 = tpu.memref_squeeze %dma_start3A_614 : memref<1x80xi32, #tpu.memory_space<vmem>> -> memref<80xi32, #tpu.memory_space<vmem>>
      %dma_start3A_616 = arith.constant 0 : i32
      %dma_start3A_617 = arith.constant 0 : i32
      %dma_start3A_618 = tpu.memref_slice %arg19[%dma_start3A_616, %dma_start3A_617] : memref<10000x64xf32, #tpu.memory_space<vmem_shared>> -> memref<10000x64xf32, #tpu.memory_space<vmem_shared>>
      tpu.enqueue_indirect_dma source(%arg17 : memref<80x64xf32, #tpu.memory_space<vmem>>) target(%dma_start3A_618 : memref<10000x64xf32, #tpu.memory_space<vmem_shared>>) offsets(%dma_start3A_615 : memref<80xi32, #tpu.memory_space<vmem>>) semaphore(%arg39 : memref<!tpu.dma_semaphore, #tpu.memory_space<semaphore_mem>>) {add = true}
      %dma_wait3A_619 = arith.constant 0 : i32
      %dma_wait3A_620 = arith.constant 0 : i32
      %dma_wait3A_621 = tpu.memref_slice %arg7[%dma_wait3A_619, %dma_wait3A_620] : memref<125x80xi32, #tpu.memory_space<vmem>> -> memref<1x80xi32, #tpu.memory_space<vmem>>
      %dma_wait3A_622 = tpu.memref_squeeze %dma_wait3A_621 : memref<1x80xi32, #tpu.memory_space<vmem>> -> memref<80xi32, #tpu.memory_space<vmem>>
      %dma_wait3A_623 = arith.constant 0 : i32
      %dma_wait3A_624 = arith.constant 0 : i32
      %dma_wait3A_625 = tpu.memref_slice %arg19[%dma_wait3A_623, %dma_wait3A_624] : memref<10000x64xf32, #tpu.memory_space<vmem_shared>> -> memref<10000x64xf32, #tpu.memory_space<vmem_shared>>
      tpu.wait_indirect_dma semaphore(%arg34 : memref<!tpu.dma_semaphore, #tpu.memory_space<semaphore_mem>>) src(%arg12 : memref<80x64xf32, #tpu.memory_space<vmem>>) dst(%dma_wait3A_625 : memref<10000x64xf32, #tpu.memory_space<vmem_shared>>)
      %add3A_626 = arith.constant 4 : i32
      %add3A_627 = arith.addi %add3A_475, %add3A_626 : i32
      %add3A_628 = arith.constant 5 : i32
      %add3A_629 = arith.addi %add3A_627, %add3A_628 : i32
      %dma_start3A_630 = arith.constant 0 : i32
      %dma_start3A_631 = tpu.memref_slice %arg6[%add3A_629, %dma_start3A_630] : memref<125x80xi32, #tpu.memory_space<vmem>> -> memref<1x80xi32, #tpu.memory_space<vmem>>
      %dma_start3A_632 = tpu.memref_squeeze %dma_start3A_631 : memref<1x80xi32, #tpu.memory_space<vmem>> -> memref<80xi32, #tpu.memory_space<vmem>>
      %dma_start3A_633 = arith.constant 0 : i32
      %dma_start3A_634 = arith.constant 0 : i32
      %dma_start3A_635 = tpu.memref_slice %arg2[%dma_start3A_633, %dma_start3A_634] : memref<20000x64xf32, #tpu.memory_space<hbm>> -> memref<20000x64xf32, #tpu.memory_space<hbm>>
      tpu.enqueue_indirect_dma source(%dma_start3A_635 : memref<20000x64xf32, #tpu.memory_space<hbm>>) target(%arg12 : memref<80x64xf32, #tpu.memory_space<vmem>>) offsets(%dma_start3A_632 : memref<80xi32, #tpu.memory_space<vmem>>) semaphore(%arg24 : memref<!tpu.dma_semaphore, #tpu.memory_space<semaphore_mem>>)
      %dma_wait3A_636 = arith.constant 0 : i32
      %dma_wait3A_637 = arith.constant 0 : i32
      %dma_wait3A_638 = tpu.memref_slice %arg6[%dma_wait3A_636, %dma_wait3A_637] : memref<125x80xi32, #tpu.memory_space<vmem>> -> memref<1x80xi32, #tpu.memory_space<vmem>>
      %dma_wait3A_639 = tpu.memref_squeeze %dma_wait3A_638 : memref<1x80xi32, #tpu.memory_space<vmem>> -> memref<80xi32, #tpu.memory_space<vmem>>
      %dma_wait3A_640 = arith.constant 0 : i32
      %dma_wait3A_641 = arith.constant 0 : i32
      %dma_wait3A_642 = tpu.memref_slice %arg2[%dma_wait3A_640, %dma_wait3A_641] : memref<20000x64xf32, #tpu.memory_space<hbm>> -> memref<20000x64xf32, #tpu.memory_space<hbm>>
      tpu.wait_indirect_dma semaphore(%arg20 : memref<!tpu.dma_semaphore, #tpu.memory_space<semaphore_mem>>) src(%dma_wait3A_642 : memref<20000x64xf32, #tpu.memory_space<hbm>>) dst(%arg8 : memref<80x64xf32, #tpu.memory_space<vmem>>)
      %add3A_643 = arith.constant 5 : i32
      %add3A_644 = arith.addi %add3A_475, %add3A_643 : i32
      %dma_start3A_645 = arith.constant 0 : i32
      %dma_start3A_646 = tpu.memref_slice %arg7[%add3A_644, %dma_start3A_645] : memref<125x80xi32, #tpu.memory_space<vmem>> -> memref<1x80xi32, #tpu.memory_space<vmem>>
      %dma_start3A_647 = tpu.memref_squeeze %dma_start3A_646 : memref<1x80xi32, #tpu.memory_space<vmem>> -> memref<80xi32, #tpu.memory_space<vmem>>
      %dma_start3A_648 = arith.constant 0 : i32
      %dma_start3A_649 = arith.constant 0 : i32
      %dma_start3A_650 = tpu.memref_slice %arg19[%dma_start3A_648, %dma_start3A_649] : memref<10000x64xf32, #tpu.memory_space<vmem_shared>> -> memref<10000x64xf32, #tpu.memory_space<vmem_shared>>
      tpu.enqueue_indirect_dma source(%arg8 : memref<80x64xf32, #tpu.memory_space<vmem>>) target(%dma_start3A_650 : memref<10000x64xf32, #tpu.memory_space<vmem_shared>>) offsets(%dma_start3A_647 : memref<80xi32, #tpu.memory_space<vmem>>) semaphore(%arg30 : memref<!tpu.dma_semaphore, #tpu.memory_space<semaphore_mem>>) {add = true}
      %dma_wait3A_651 = arith.constant 0 : i32
      %dma_wait3A_652 = arith.constant 0 : i32
      %dma_wait3A_653 = tpu.memref_slice %arg7[%dma_wait3A_651, %dma_wait3A_652] : memref<125x80xi32, #tpu.memory_space<vmem>> -> memref<1x80xi32, #tpu.memory_space<vmem>>
      %dma_wait3A_654 = tpu.memref_squeeze %dma_wait3A_653 : memref<1x80xi32, #tpu.memory_space<vmem>> -> memref<80xi32, #tpu.memory_space<vmem>>
      %dma_wait3A_655 = arith.constant 0 : i32
      %dma_wait3A_656 = arith.constant 0 : i32
      %dma_wait3A_657 = tpu.memref_slice %arg19[%dma_wait3A_655, %dma_wait3A_656] : memref<10000x64xf32, #tpu.memory_space<vmem_shared>> -> memref<10000x64xf32, #tpu.memory_space<vmem_shared>>
      tpu.wait_indirect_dma semaphore(%arg35 : memref<!tpu.dma_semaphore, #tpu.memory_space<semaphore_mem>>) src(%arg13 : memref<80x64xf32, #tpu.memory_space<vmem>>) dst(%dma_wait3A_657 : memref<10000x64xf32, #tpu.memory_space<vmem_shared>>)
      %add3A_658 = arith.constant 5 : i32
      %add3A_659 = arith.addi %add3A_475, %add3A_658 : i32
      %add3A_660 = arith.constant 5 : i32
      %add3A_661 = arith.addi %add3A_659, %add3A_660 : i32
      %dma_start3A_662 = arith.constant 0 : i32
      %dma_start3A_663 = tpu.memref_slice %arg6[%add3A_661, %dma_start3A_662] : memref<125x80xi32, #tpu.memory_space<vmem>> -> memref<1x80xi32, #tpu.memory_space<vmem>>
      %dma_start3A_664 = tpu.memref_squeeze %dma_start3A_663 : memref<1x80xi32, #tpu.memory_space<vmem>> -> memref<80xi32, #tpu.memory_space<vmem>>
      %dma_start3A_665 = arith.constant 0 : i32
      %dma_start3A_666 = arith.constant 0 : i32
      %dma_start3A_667 = tpu.memref_slice %arg2[%dma_start3A_665, %dma_start3A_666] : memref<20000x64xf32, #tpu.memory_space<hbm>> -> memref<20000x64xf32, #tpu.memory_space<hbm>>
      tpu.enqueue_indirect_dma source(%dma_start3A_667 : memref<20000x64xf32, #tpu.memory_space<hbm>>) target(%arg13 : memref<80x64xf32, #tpu.memory_space<vmem>>) offsets(%dma_start3A_664 : memref<80xi32, #tpu.memory_space<vmem>>) semaphore(%arg25 : memref<!tpu.dma_semaphore, #tpu.memory_space<semaphore_mem>>)
      %dma_wait3A_668 = arith.constant 0 : i32
      %dma_wait3A_669 = arith.constant 0 : i32
      %dma_wait3A_670 = tpu.memref_slice %arg6[%dma_wait3A_668, %dma_wait3A_669] : memref<125x80xi32, #tpu.memory_space<vmem>> -> memref<1x80xi32, #tpu.memory_space<vmem>>
      %dma_wait3A_671 = tpu.memref_squeeze %dma_wait3A_670 : memref<1x80xi32, #tpu.memory_space<vmem>> -> memref<80xi32, #tpu.memory_space<vmem>>
      %dma_wait3A_672 = arith.constant 0 : i32
      %dma_wait3A_673 = arith.constant 0 : i32
      %dma_wait3A_674 = tpu.memref_slice %arg2[%dma_wait3A_672, %dma_wait3A_673] : memref<20000x64xf32, #tpu.memory_space<hbm>> -> memref<20000x64xf32, #tpu.memory_space<hbm>>
      tpu.wait_indirect_dma semaphore(%arg21 : memref<!tpu.dma_semaphore, #tpu.memory_space<semaphore_mem>>) src(%dma_wait3A_674 : memref<20000x64xf32, #tpu.memory_space<hbm>>) dst(%arg9 : memref<80x64xf32, #tpu.memory_space<vmem>>)
      %add3A_675 = arith.constant 6 : i32
      %add3A_676 = arith.addi %add3A_475, %add3A_675 : i32
      %dma_start3A_677 = arith.constant 0 : i32
      %dma_start3A_678 = tpu.memref_slice %arg7[%add3A_676, %dma_start3A_677] : memref<125x80xi32, #tpu.memory_space<vmem>> -> memref<1x80xi32, #tpu.memory_space<vmem>>
      %dma_start3A_679 = tpu.memref_squeeze %dma_start3A_678 : memref<1x80xi32, #tpu.memory_space<vmem>> -> memref<80xi32, #tpu.memory_space<vmem>>
      %dma_start3A_680 = arith.constant 0 : i32
      %dma_start3A_681 = arith.constant 0 : i32
      %dma_start3A_682 = tpu.memref_slice %arg19[%dma_start3A_680, %dma_start3A_681] : memref<10000x64xf32, #tpu.memory_space<vmem_shared>> -> memref<10000x64xf32, #tpu.memory_space<vmem_shared>>
      tpu.enqueue_indirect_dma source(%arg9 : memref<80x64xf32, #tpu.memory_space<vmem>>) target(%dma_start3A_682 : memref<10000x64xf32, #tpu.memory_space<vmem_shared>>) offsets(%dma_start3A_679 : memref<80xi32, #tpu.memory_space<vmem>>) semaphore(%arg31 : memref<!tpu.dma_semaphore, #tpu.memory_space<semaphore_mem>>) {add = true}
      %dma_wait3A_683 = arith.constant 0 : i32
      %dma_wait3A_684 = arith.constant 0 : i32
      %dma_wait3A_685 = tpu.memref_slice %arg7[%dma_wait3A_683, %dma_wait3A_684] : memref<125x80xi32, #tpu.memory_space<vmem>> -> memref<1x80xi32, #tpu.memory_space<vmem>>
      %dma_wait3A_686 = tpu.memref_squeeze %dma_wait3A_685 : memref<1x80xi32, #tpu.memory_space<vmem>> -> memref<80xi32, #tpu.memory_space<vmem>>
      %dma_wait3A_687 = arith.constant 0 : i32
      %dma_wait3A_688 = arith.constant 0 : i32
      %dma_wait3A_689 = tpu.memref_slice %arg19[%dma_wait3A_687, %dma_wait3A_688] : memref<10000x64xf32, #tpu.memory_space<vmem_shared>> -> memref<10000x64xf32, #tpu.memory_space<vmem_shared>>
      tpu.wait_indirect_dma semaphore(%arg36 : memref<!tpu.dma_semaphore, #tpu.memory_space<semaphore_mem>>) src(%arg14 : memref<80x64xf32, #tpu.memory_space<vmem>>) dst(%dma_wait3A_689 : memref<10000x64xf32, #tpu.memory_space<vmem_shared>>)
      %add3A_690 = arith.constant 6 : i32
      %add3A_691 = arith.addi %add3A_475, %add3A_690 : i32
      %add3A_692 = arith.constant 5 : i32
      %add3A_693 = arith.addi %add3A_691, %add3A_692 : i32
      %dma_start3A_694 = arith.constant 0 : i32
      %dma_start3A_695 = tpu.memref_slice %arg6[%add3A_693, %dma_start3A_694] : memref<125x80xi32, #tpu.memory_space<vmem>> -> memref<1x80xi32, #tpu.memory_space<vmem>>
      %dma_start3A_696 = tpu.memref_squeeze %dma_start3A_695 : memref<1x80xi32, #tpu.memory_space<vmem>> -> memref<80xi32, #tpu.memory_space<vmem>>
      %dma_start3A_697 = arith.constant 0 : i32
      %dma_start3A_698 = arith.constant 0 : i32
      %dma_start3A_699 = tpu.memref_slice %arg2[%dma_start3A_697, %dma_start3A_698] : memref<20000x64xf32, #tpu.memory_space<hbm>> -> memref<20000x64xf32, #tpu.memory_space<hbm>>
      tpu.enqueue_indirect_dma source(%dma_start3A_699 : memref<20000x64xf32, #tpu.memory_space<hbm>>) target(%arg14 : memref<80x64xf32, #tpu.memory_space<vmem>>) offsets(%dma_start3A_696 : memref<80xi32, #tpu.memory_space<vmem>>) semaphore(%arg26 : memref<!tpu.dma_semaphore, #tpu.memory_space<semaphore_mem>>)
      %dma_wait3A_700 = arith.constant 0 : i32
      %dma_wait3A_701 = arith.constant 0 : i32
      %dma_wait3A_702 = tpu.memref_slice %arg6[%dma_wait3A_700, %dma_wait3A_701] : memref<125x80xi32, #tpu.memory_space<vmem>> -> memref<1x80xi32, #tpu.memory_space<vmem>>
      %dma_wait3A_703 = tpu.memref_squeeze %dma_wait3A_702 : memref<1x80xi32, #tpu.memory_space<vmem>> -> memref<80xi32, #tpu.memory_space<vmem>>
      %dma_wait3A_704 = arith.constant 0 : i32
      %dma_wait3A_705 = arith.constant 0 : i32
      %dma_wait3A_706 = tpu.memref_slice %arg2[%dma_wait3A_704, %dma_wait3A_705] : memref<20000x64xf32, #tpu.memory_space<hbm>> -> memref<20000x64xf32, #tpu.memory_space<hbm>>
      tpu.wait_indirect_dma semaphore(%arg22 : memref<!tpu.dma_semaphore, #tpu.memory_space<semaphore_mem>>) src(%dma_wait3A_706 : memref<20000x64xf32, #tpu.memory_space<hbm>>) dst(%arg10 : memref<80x64xf32, #tpu.memory_space<vmem>>)
      %add3A_707 = arith.constant 7 : i32
      %add3A_708 = arith.addi %add3A_475, %add3A_707 : i32
      %dma_start3A_709 = arith.constant 0 : i32
      %dma_start3A_710 = tpu.memref_slice %arg7[%add3A_708, %dma_start3A_709] : memref<125x80xi32, #tpu.memory_space<vmem>> -> memref<1x80xi32, #tpu.memory_space<vmem>>
      %dma_start3A_711 = tpu.memref_squeeze %dma_start3A_710 : memref<1x80xi32, #tpu.memory_space<vmem>> -> memref<80xi32, #tpu.memory_space<vmem>>
      %dma_start3A_712 = arith.constant 0 : i32
      %dma_start3A_713 = arith.constant 0 : i32
      %dma_start3A_714 = tpu.memref_slice %arg19[%dma_start3A_712, %dma_start3A_713] : memref<10000x64xf32, #tpu.memory_space<vmem_shared>> -> memref<10000x64xf32, #tpu.memory_space<vmem_shared>>
      tpu.enqueue_indirect_dma source(%arg10 : memref<80x64xf32, #tpu.memory_space<vmem>>) target(%dma_start3A_714 : memref<10000x64xf32, #tpu.memory_space<vmem_shared>>) offsets(%dma_start3A_711 : memref<80xi32, #tpu.memory_space<vmem>>) semaphore(%arg32 : memref<!tpu.dma_semaphore, #tpu.memory_space<semaphore_mem>>) {add = true}
      %dma_wait3A_715 = arith.constant 0 : i32
      %dma_wait3A_716 = arith.constant 0 : i32
      %dma_wait3A_717 = tpu.memref_slice %arg7[%dma_wait3A_715, %dma_wait3A_716] : memref<125x80xi32, #tpu.memory_space<vmem>> -> memref<1x80xi32, #tpu.memory_space<vmem>>
      %dma_wait3A_718 = tpu.memref_squeeze %dma_wait3A_717 : memref<1x80xi32, #tpu.memory_space<vmem>> -> memref<80xi32, #tpu.memory_space<vmem>>
      %dma_wait3A_719 = arith.constant 0 : i32
      %dma_wait3A_720 = arith.constant 0 : i32
      %dma_wait3A_721 = tpu.memref_slice %arg19[%dma_wait3A_719, %dma_wait3A_720] : memref<10000x64xf32, #tpu.memory_space<vmem_shared>> -> memref<10000x64xf32, #tpu.memory_space<vmem_shared>>
      tpu.wait_indirect_dma semaphore(%arg37 : memref<!tpu.dma_semaphore, #tpu.memory_space<semaphore_mem>>) src(%arg15 : memref<80x64xf32, #tpu.memory_space<vmem>>) dst(%dma_wait3A_721 : memref<10000x64xf32, #tpu.memory_space<vmem_shared>>)
      %add3A_722 = arith.constant 7 : i32
      %add3A_723 = arith.addi %add3A_475, %add3A_722 : i32
      %add3A_724 = arith.constant 5 : i32
      %add3A_725 = arith.addi %add3A_723, %add3A_724 : i32
      %dma_start3A_726 = arith.constant 0 : i32
      %dma_start3A_727 = tpu.memref_slice %arg6[%add3A_725, %dma_start3A_726] : memref<125x80xi32, #tpu.memory_space<vmem>> -> memref<1x80xi32, #tpu.memory_space<vmem>>
      %dma_start3A_728 = tpu.memref_squeeze %dma_start3A_727 : memref<1x80xi32, #tpu.memory_space<vmem>> -> memref<80xi32, #tpu.memory_space<vmem>>
      %dma_start3A_729 = arith.constant 0 : i32
      %dma_start3A_730 = arith.constant 0 : i32
      %dma_start3A_731 = tpu.memref_slice %arg2[%dma_start3A_729, %dma_start3A_730] : memref<20000x64xf32, #tpu.memory_space<hbm>> -> memref<20000x64xf32, #tpu.memory_space<hbm>>
      tpu.enqueue_indirect_dma source(%dma_start3A_731 : memref<20000x64xf32, #tpu.memory_space<hbm>>) target(%arg15 : memref<80x64xf32, #tpu.memory_space<vmem>>) offsets(%dma_start3A_728 : memref<80xi32, #tpu.memory_space<vmem>>) semaphore(%arg27 : memref<!tpu.dma_semaphore, #tpu.memory_space<semaphore_mem>>)
      %dma_wait3A_732 = arith.constant 0 : i32
      %dma_wait3A_733 = arith.constant 0 : i32
      %dma_wait3A_734 = tpu.memref_slice %arg6[%dma_wait3A_732, %dma_wait3A_733] : memref<125x80xi32, #tpu.memory_space<vmem>> -> memref<1x80xi32, #tpu.memory_space<vmem>>
      %dma_wait3A_735 = tpu.memref_squeeze %dma_wait3A_734 : memref<1x80xi32, #tpu.memory_space<vmem>> -> memref<80xi32, #tpu.memory_space<vmem>>
      %dma_wait3A_736 = arith.constant 0 : i32
      %dma_wait3A_737 = arith.constant 0 : i32
      %dma_wait3A_738 = tpu.memref_slice %arg2[%dma_wait3A_736, %dma_wait3A_737] : memref<20000x64xf32, #tpu.memory_space<hbm>> -> memref<20000x64xf32, #tpu.memory_space<hbm>>
      tpu.wait_indirect_dma semaphore(%arg23 : memref<!tpu.dma_semaphore, #tpu.memory_space<semaphore_mem>>) src(%dma_wait3A_738 : memref<20000x64xf32, #tpu.memory_space<hbm>>) dst(%arg11 : memref<80x64xf32, #tpu.memory_space<vmem>>)
      %add3A_739 = arith.constant 8 : i32
      %add3A_740 = arith.addi %add3A_475, %add3A_739 : i32
      %dma_start3A_741 = arith.constant 0 : i32
      %dma_start3A_742 = tpu.memref_slice %arg7[%add3A_740, %dma_start3A_741] : memref<125x80xi32, #tpu.memory_space<vmem>> -> memref<1x80xi32, #tpu.memory_space<vmem>>
      %dma_start3A_743 = tpu.memref_squeeze %dma_start3A_742 : memref<1x80xi32, #tpu.memory_space<vmem>> -> memref<80xi32, #tpu.memory_space<vmem>>
      %dma_start3A_744 = arith.constant 0 : i32
      %dma_start3A_745 = arith.constant 0 : i32
      %dma_start3A_746 = tpu.memref_slice %arg19[%dma_start3A_744, %dma_start3A_745] : memref<10000x64xf32, #tpu.memory_space<vmem_shared>> -> memref<10000x64xf32, #tpu.memory_space<vmem_shared>>
      tpu.enqueue_indirect_dma source(%arg11 : memref<80x64xf32, #tpu.memory_space<vmem>>) target(%dma_start3A_746 : memref<10000x64xf32, #tpu.memory_space<vmem_shared>>) offsets(%dma_start3A_743 : memref<80xi32, #tpu.memory_space<vmem>>) semaphore(%arg33 : memref<!tpu.dma_semaphore, #tpu.memory_space<semaphore_mem>>) {add = true}
      %dma_wait3A_747 = arith.constant 0 : i32
      %dma_wait3A_748 = arith.constant 0 : i32
      %dma_wait3A_749 = tpu.memref_slice %arg7[%dma_wait3A_747, %dma_wait3A_748] : memref<125x80xi32, #tpu.memory_space<vmem>> -> memref<1x80xi32, #tpu.memory_space<vmem>>
      %dma_wait3A_750 = tpu.memref_squeeze %dma_wait3A_749 : memref<1x80xi32, #tpu.memory_space<vmem>> -> memref<80xi32, #tpu.memory_space<vmem>>
      %dma_wait3A_751 = arith.constant 0 : i32
      %dma_wait3A_752 = arith.constant 0 : i32
      %dma_wait3A_753 = tpu.memref_slice %arg19[%dma_wait3A_751, %dma_wait3A_752] : memref<10000x64xf32, #tpu.memory_space<vmem_shared>> -> memref<10000x64xf32, #tpu.memory_space<vmem_shared>>
      tpu.wait_indirect_dma semaphore(%arg38 : memref<!tpu.dma_semaphore, #tpu.memory_space<semaphore_mem>>) src(%arg16 : memref<80x64xf32, #tpu.memory_space<vmem>>) dst(%dma_wait3A_753 : memref<10000x64xf32, #tpu.memory_space<vmem_shared>>)
      %add3A_754 = arith.constant 8 : i32
      %add3A_755 = arith.addi %add3A_475, %add3A_754 : i32
      %add3A_756 = arith.constant 5 : i32
      %add3A_757 = arith.addi %add3A_755, %add3A_756 : i32
      %dma_start3A_758 = arith.constant 0 : i32
      %dma_start3A_759 = tpu.memref_slice %arg6[%add3A_757, %dma_start3A_758] : memref<125x80xi32, #tpu.memory_space<vmem>> -> memref<1x80xi32, #tpu.memory_space<vmem>>
      %dma_start3A_760 = tpu.memref_squeeze %dma_start3A_759 : memref<1x80xi32, #tpu.memory_space<vmem>> -> memref<80xi32, #tpu.memory_space<vmem>>
      %dma_start3A_761 = arith.constant 0 : i32
      %dma_start3A_762 = arith.constant 0 : i32
      %dma_start3A_763 = tpu.memref_slice %arg2[%dma_start3A_761, %dma_start3A_762] : memref<20000x64xf32, #tpu.memory_space<hbm>> -> memref<20000x64xf32, #tpu.memory_space<hbm>>
      tpu.enqueue_indirect_dma source(%dma_start3A_763 : memref<20000x64xf32, #tpu.memory_space<hbm>>) target(%arg16 : memref<80x64xf32, #tpu.memory_space<vmem>>) offsets(%dma_start3A_760 : memref<80xi32, #tpu.memory_space<vmem>>) semaphore(%arg28 : memref<!tpu.dma_semaphore, #tpu.memory_space<semaphore_mem>>)
      %dma_wait3A_764 = arith.constant 0 : i32
      %dma_wait3A_765 = arith.constant 0 : i32
      %dma_wait3A_766 = tpu.memref_slice %arg6[%dma_wait3A_764, %dma_wait3A_765] : memref<125x80xi32, #tpu.memory_space<vmem>> -> memref<1x80xi32, #tpu.memory_space<vmem>>
      %dma_wait3A_767 = tpu.memref_squeeze %dma_wait3A_766 : memref<1x80xi32, #tpu.memory_space<vmem>> -> memref<80xi32, #tpu.memory_space<vmem>>
      %dma_wait3A_768 = arith.constant 0 : i32
      %dma_wait3A_769 = arith.constant 0 : i32
      %dma_wait3A_770 = tpu.memref_slice %arg2[%dma_wait3A_768, %dma_wait3A_769] : memref<20000x64xf32, #tpu.memory_space<hbm>> -> memref<20000x64xf32, #tpu.memory_space<hbm>>
      tpu.wait_indirect_dma semaphore(%arg24 : memref<!tpu.dma_semaphore, #tpu.memory_space<semaphore_mem>>) src(%dma_wait3A_770 : memref<20000x64xf32, #tpu.memory_space<hbm>>) dst(%arg12 : memref<80x64xf32, #tpu.memory_space<vmem>>)
      %add3A_771 = arith.constant 9 : i32
      %add3A_772 = arith.addi %add3A_475, %add3A_771 : i32
      %dma_start3A_773 = arith.constant 0 : i32
      %dma_start3A_774 = tpu.memref_slice %arg7[%add3A_772, %dma_start3A_773] : memref<125x80xi32, #tpu.memory_space<vmem>> -> memref<1x80xi32, #tpu.memory_space<vmem>>
      %dma_start3A_775 = tpu.memref_squeeze %dma_start3A_774 : memref<1x80xi32, #tpu.memory_space<vmem>> -> memref<80xi32, #tpu.memory_space<vmem>>
      %dma_start3A_776 = arith.constant 0 : i32
      %dma_start3A_777 = arith.constant 0 : i32
      %dma_start3A_778 = tpu.memref_slice %arg19[%dma_start3A_776, %dma_start3A_777] : memref<10000x64xf32, #tpu.memory_space<vmem_shared>> -> memref<10000x64xf32, #tpu.memory_space<vmem_shared>>
      tpu.enqueue_indirect_dma source(%arg12 : memref<80x64xf32, #tpu.memory_space<vmem>>) target(%dma_start3A_778 : memref<10000x64xf32, #tpu.memory_space<vmem_shared>>) offsets(%dma_start3A_775 : memref<80xi32, #tpu.memory_space<vmem>>) semaphore(%arg34 : memref<!tpu.dma_semaphore, #tpu.memory_space<semaphore_mem>>) {add = true}
      %dma_wait3A_779 = arith.constant 0 : i32
      %dma_wait3A_780 = arith.constant 0 : i32
      %dma_wait3A_781 = tpu.memref_slice %arg7[%dma_wait3A_779, %dma_wait3A_780] : memref<125x80xi32, #tpu.memory_space<vmem>> -> memref<1x80xi32, #tpu.memory_space<vmem>>
      %dma_wait3A_782 = tpu.memref_squeeze %dma_wait3A_781 : memref<1x80xi32, #tpu.memory_space<vmem>> -> memref<80xi32, #tpu.memory_space<vmem>>
      %dma_wait3A_783 = arith.constant 0 : i32
      %dma_wait3A_784 = arith.constant 0 : i32
      %dma_wait3A_785 = tpu.memref_slice %arg19[%dma_wait3A_783, %dma_wait3A_784] : memref<10000x64xf32, #tpu.memory_space<vmem_shared>> -> memref<10000x64xf32, #tpu.memory_space<vmem_shared>>
      tpu.wait_indirect_dma semaphore(%arg39 : memref<!tpu.dma_semaphore, #tpu.memory_space<semaphore_mem>>) src(%arg17 : memref<80x64xf32, #tpu.memory_space<vmem>>) dst(%dma_wait3A_785 : memref<10000x64xf32, #tpu.memory_space<vmem_shared>>)
      %add3A_786 = arith.constant 9 : i32
      %add3A_787 = arith.addi %add3A_475, %add3A_786 : i32
      %add3A_788 = arith.constant 5 : i32
      %add3A_789 = arith.addi %add3A_787, %add3A_788 : i32
      %dma_start3A_790 = arith.constant 0 : i32
      %dma_start3A_791 = tpu.memref_slice %arg6[%add3A_789, %dma_start3A_790] : memref<125x80xi32, #tpu.memory_space<vmem>> -> memref<1x80xi32, #tpu.memory_space<vmem>>
      %dma_start3A_792 = tpu.memref_squeeze %dma_start3A_791 : memref<1x80xi32, #tpu.memory_space<vmem>> -> memref<80xi32, #tpu.memory_space<vmem>>
      %dma_start3A_793 = arith.constant 0 : i32
      %dma_start3A_794 = arith.constant 0 : i32
      %dma_start3A_795 = tpu.memref_slice %arg2[%dma_start3A_793, %dma_start3A_794] : memref<20000x64xf32, #tpu.memory_space<hbm>> -> memref<20000x64xf32, #tpu.memory_space<hbm>>
      tpu.enqueue_indirect_dma source(%dma_start3A_795 : memref<20000x64xf32, #tpu.memory_space<hbm>>) target(%arg17 : memref<80x64xf32, #tpu.memory_space<vmem>>) offsets(%dma_start3A_792 : memref<80xi32, #tpu.memory_space<vmem>>) semaphore(%arg29 : memref<!tpu.dma_semaphore, #tpu.memory_space<semaphore_mem>>)
    }
    %scan3A_185 = arith.constant 11 : i32
    %dma_wait3A_186 = arith.constant 0 : i32
    %dma_wait3A_187 = arith.constant 0 : i32
    %dma_wait3A_188 = tpu.memref_slice %arg6[%dma_wait3A_186, %dma_wait3A_187] : memref<125x80xi32, #tpu.memory_space<vmem>> -> memref<1x80xi32, #tpu.memory_space<vmem>>
    %dma_wait3A_189 = tpu.memref_squeeze %dma_wait3A_188 : memref<1x80xi32, #tpu.memory_space<vmem>> -> memref<80xi32, #tpu.memory_space<vmem>>
    %dma_wait3A_190 = arith.constant 0 : i32
    %dma_wait3A_191 = arith.constant 0 : i32
    %dma_wait3A_192 = tpu.memref_slice %arg2[%dma_wait3A_190, %dma_wait3A_191] : memref<20000x64xf32, #tpu.memory_space<hbm>> -> memref<20000x64xf32, #tpu.memory_space<hbm>>
    tpu.wait_indirect_dma semaphore(%arg25 : memref<!tpu.dma_semaphore, #tpu.memory_space<semaphore_mem>>) src(%dma_wait3A_192 : memref<20000x64xf32, #tpu.memory_space<hbm>>) dst(%arg13 : memref<80x64xf32, #tpu.memory_space<vmem>>)
    %dma_start3A_193 = arith.constant 115 : i32
    %dma_start3A_194 = arith.constant 0 : i32
    %dma_start3A_195 = tpu.memref_slice %arg7[%dma_start3A_193, %dma_start3A_194] : memref<125x80xi32, #tpu.memory_space<vmem>> -> memref<1x80xi32, #tpu.memory_space<vmem>>
    %dma_start3A_196 = tpu.memref_squeeze %dma_start3A_195 : memref<1x80xi32, #tpu.memory_space<vmem>> -> memref<80xi32, #tpu.memory_space<vmem>>
    %dma_start3A_197 = arith.constant 0 : i32
    %dma_start3A_198 = arith.constant 0 : i32
    %dma_start3A_199 = tpu.memref_slice %arg19[%dma_start3A_197, %dma_start3A_198] : memref<10000x64xf32, #tpu.memory_space<vmem_shared>> -> memref<10000x64xf32, #tpu.memory_space<vmem_shared>>
    tpu.enqueue_indirect_dma source(%arg13 : memref<80x64xf32, #tpu.memory_space<vmem>>) target(%dma_start3A_199 : memref<10000x64xf32, #tpu.memory_space<vmem_shared>>) offsets(%dma_start3A_196 : memref<80xi32, #tpu.memory_space<vmem>>) semaphore(%arg35 : memref<!tpu.dma_semaphore, #tpu.memory_space<semaphore_mem>>) {add = true}
    %dma_wait3A_200 = arith.constant 0 : i32
    %dma_wait3A_201 = arith.constant 0 : i32
    %dma_wait3A_202 = tpu.memref_slice %arg7[%dma_wait3A_200, %dma_wait3A_201] : memref<125x80xi32, #tpu.memory_space<vmem>> -> memref<1x80xi32, #tpu.memory_space<vmem>>
    %dma_wait3A_203 = tpu.memref_squeeze %dma_wait3A_202 : memref<1x80xi32, #tpu.memory_space<vmem>> -> memref<80xi32, #tpu.memory_space<vmem>>
    %dma_wait3A_204 = arith.constant 0 : i32
    %dma_wait3A_205 = arith.constant 0 : i32
    %dma_wait3A_206 = tpu.memref_slice %arg19[%dma_wait3A_204, %dma_wait3A_205] : memref<10000x64xf32, #tpu.memory_space<vmem_shared>> -> memref<10000x64xf32, #tpu.memory_space<vmem_shared>>
    tpu.wait_indirect_dma semaphore(%arg30 : memref<!tpu.dma_semaphore, #tpu.memory_space<semaphore_mem>>) src(%arg8 : memref<80x64xf32, #tpu.memory_space<vmem>>) dst(%dma_wait3A_206 : memref<10000x64xf32, #tpu.memory_space<vmem_shared>>)
    %dma_start3A_207 = arith.constant 120 : i32
    %dma_start3A_208 = arith.constant 0 : i32
    %dma_start3A_209 = tpu.memref_slice %arg6[%dma_start3A_207, %dma_start3A_208] : memref<125x80xi32, #tpu.memory_space<vmem>> -> memref<1x80xi32, #tpu.memory_space<vmem>>
    %dma_start3A_210 = tpu.memref_squeeze %dma_start3A_209 : memref<1x80xi32, #tpu.memory_space<vmem>> -> memref<80xi32, #tpu.memory_space<vmem>>
    %dma_start3A_211 = arith.constant 0 : i32
    %dma_start3A_212 = arith.constant 0 : i32
    %dma_start3A_213 = tpu.memref_slice %arg2[%dma_start3A_211, %dma_start3A_212] : memref<20000x64xf32, #tpu.memory_space<hbm>> -> memref<20000x64xf32, #tpu.memory_space<hbm>>
    tpu.enqueue_indirect_dma source(%dma_start3A_213 : memref<20000x64xf32, #tpu.memory_space<hbm>>) target(%arg8 : memref<80x64xf32, #tpu.memory_space<vmem>>) offsets(%dma_start3A_210 : memref<80xi32, #tpu.memory_space<vmem>>) semaphore(%arg20 : memref<!tpu.dma_semaphore, #tpu.memory_space<semaphore_mem>>)
    %dma_wait3A_214 = arith.constant 0 : i32
    %dma_wait3A_215 = arith.constant 0 : i32
    %dma_wait3A_216 = tpu.memref_slice %arg6[%dma_wait3A_214, %dma_wait3A_215] : memref<125x80xi32, #tpu.memory_space<vmem>> -> memref<1x80xi32, #tpu.memory_space<vmem>>
    %dma_wait3A_217 = tpu.memref_squeeze %dma_wait3A_216 : memref<1x80xi32, #tpu.memory_space<vmem>> -> memref<80xi32, #tpu.memory_space<vmem>>
    %dma_wait3A_218 = arith.constant 0 : i32
    %dma_wait3A_219 = arith.constant 0 : i32
    %dma_wait3A_220 = tpu.memref_slice %arg2[%dma_wait3A_218, %dma_wait3A_219] : memref<20000x64xf32, #tpu.memory_space<hbm>> -> memref<20000x64xf32, #tpu.memory_space<hbm>>
    tpu.wait_indirect_dma semaphore(%arg26 : memref<!tpu.dma_semaphore, #tpu.memory_space<semaphore_mem>>) src(%dma_wait3A_220 : memref<20000x64xf32, #tpu.memory_space<hbm>>) dst(%arg14 : memref<80x64xf32, #tpu.memory_space<vmem>>)
    %dma_start3A_221 = arith.constant 116 : i32
    %dma_start3A_222 = arith.constant 0 : i32
    %dma_start3A_223 = tpu.memref_slice %arg7[%dma_start3A_221, %dma_start3A_222] : memref<125x80xi32, #tpu.memory_space<vmem>> -> memref<1x80xi32, #tpu.memory_space<vmem>>
    %dma_start3A_224 = tpu.memref_squeeze %dma_start3A_223 : memref<1x80xi32, #tpu.memory_space<vmem>> -> memref<80xi32, #tpu.memory_space<vmem>>
    %dma_start3A_225 = arith.constant 0 : i32
    %dma_start3A_226 = arith.constant 0 : i32
    %dma_start3A_227 = tpu.memref_slice %arg19[%dma_start3A_225, %dma_start3A_226] : memref<10000x64xf32, #tpu.memory_space<vmem_shared>> -> memref<10000x64xf32, #tpu.memory_space<vmem_shared>>
    tpu.enqueue_indirect_dma source(%arg14 : memref<80x64xf32, #tpu.memory_space<vmem>>) target(%dma_start3A_227 : memref<10000x64xf32, #tpu.memory_space<vmem_shared>>) offsets(%dma_start3A_224 : memref<80xi32, #tpu.memory_space<vmem>>) semaphore(%arg36 : memref<!tpu.dma_semaphore, #tpu.memory_space<semaphore_mem>>) {add = true}
    %dma_wait3A_228 = arith.constant 0 : i32
    %dma_wait3A_229 = arith.constant 0 : i32
    %dma_wait3A_230 = tpu.memref_slice %arg7[%dma_wait3A_228, %dma_wait3A_229] : memref<125x80xi32, #tpu.memory_space<vmem>> -> memref<1x80xi32, #tpu.memory_space<vmem>>
    %dma_wait3A_231 = tpu.memref_squeeze %dma_wait3A_230 : memref<1x80xi32, #tpu.memory_space<vmem>> -> memref<80xi32, #tpu.memory_space<vmem>>
    %dma_wait3A_232 = arith.constant 0 : i32
    %dma_wait3A_233 = arith.constant 0 : i32
    %dma_wait3A_234 = tpu.memref_slice %arg19[%dma_wait3A_232, %dma_wait3A_233] : memref<10000x64xf32, #tpu.memory_space<vmem_shared>> -> memref<10000x64xf32, #tpu.memory_space<vmem_shared>>
    tpu.wait_indirect_dma semaphore(%arg31 : memref<!tpu.dma_semaphore, #tpu.memory_space<semaphore_mem>>) src(%arg9 : memref<80x64xf32, #tpu.memory_space<vmem>>) dst(%dma_wait3A_234 : memref<10000x64xf32, #tpu.memory_space<vmem_shared>>)
    %dma_start3A_235 = arith.constant 121 : i32
    %dma_start3A_236 = arith.constant 0 : i32
    %dma_start3A_237 = tpu.memref_slice %arg6[%dma_start3A_235, %dma_start3A_236] : memref<125x80xi32, #tpu.memory_space<vmem>> -> memref<1x80xi32, #tpu.memory_space<vmem>>
    %dma_start3A_238 = tpu.memref_squeeze %dma_start3A_237 : memref<1x80xi32, #tpu.memory_space<vmem>> -> memref<80xi32, #tpu.memory_space<vmem>>
    %dma_start3A_239 = arith.constant 0 : i32
    %dma_start3A_240 = arith.constant 0 : i32
    %dma_start3A_241 = tpu.memref_slice %arg2[%dma_start3A_239, %dma_start3A_240] : memref<20000x64xf32, #tpu.memory_space<hbm>> -> memref<20000x64xf32, #tpu.memory_space<hbm>>
    tpu.enqueue_indirect_dma source(%dma_start3A_241 : memref<20000x64xf32, #tpu.memory_space<hbm>>) target(%arg9 : memref<80x64xf32, #tpu.memory_space<vmem>>) offsets(%dma_start3A_238 : memref<80xi32, #tpu.memory_space<vmem>>) semaphore(%arg21 : memref<!tpu.dma_semaphore, #tpu.memory_space<semaphore_mem>>)
    %dma_wait3A_242 = arith.constant 0 : i32
    %dma_wait3A_243 = arith.constant 0 : i32
    %dma_wait3A_244 = tpu.memref_slice %arg6[%dma_wait3A_242, %dma_wait3A_243] : memref<125x80xi32, #tpu.memory_space<vmem>> -> memref<1x80xi32, #tpu.memory_space<vmem>>
    %dma_wait3A_245 = tpu.memref_squeeze %dma_wait3A_244 : memref<1x80xi32, #tpu.memory_space<vmem>> -> memref<80xi32, #tpu.memory_space<vmem>>
    %dma_wait3A_246 = arith.constant 0 : i32
    %dma_wait3A_247 = arith.constant 0 : i32
    %dma_wait3A_248 = tpu.memref_slice %arg2[%dma_wait3A_246, %dma_wait3A_247] : memref<20000x64xf32, #tpu.memory_space<hbm>> -> memref<20000x64xf32, #tpu.memory_space<hbm>>
    tpu.wait_indirect_dma semaphore(%arg27 : memref<!tpu.dma_semaphore, #tpu.memory_space<semaphore_mem>>) src(%dma_wait3A_248 : memref<20000x64xf32, #tpu.memory_space<hbm>>) dst(%arg15 : memref<80x64xf32, #tpu.memory_space<vmem>>)
    %dma_start3A_249 = arith.constant 117 : i32
    %dma_start3A_250 = arith.constant 0 : i32
    %dma_start3A_251 = tpu.memref_slice %arg7[%dma_start3A_249, %dma_start3A_250] : memref<125x80xi32, #tpu.memory_space<vmem>> -> memref<1x80xi32, #tpu.memory_space<vmem>>
    %dma_start3A_252 = tpu.memref_squeeze %dma_start3A_251 : memref<1x80xi32, #tpu.memory_space<vmem>> -> memref<80xi32, #tpu.memory_space<vmem>>
    %dma_start3A_253 = arith.constant 0 : i32
    %dma_start3A_254 = arith.constant 0 : i32
    %dma_start3A_255 = tpu.memref_slice %arg19[%dma_start3A_253, %dma_start3A_254] : memref<10000x64xf32, #tpu.memory_space<vmem_shared>> -> memref<10000x64xf32, #tpu.memory_space<vmem_shared>>
    tpu.enqueue_indirect_dma source(%arg15 : memref<80x64xf32, #tpu.memory_space<vmem>>) target(%dma_start3A_255 : memref<10000x64xf32, #tpu.memory_space<vmem_shared>>) offsets(%dma_start3A_252 : memref<80xi32, #tpu.memory_space<vmem>>) semaphore(%arg37 : memref<!tpu.dma_semaphore, #tpu.memory_space<semaphore_mem>>) {add = true}
    %dma_wait3A_256 = arith.constant 0 : i32
    %dma_wait3A_257 = arith.constant 0 : i32
    %dma_wait3A_258 = tpu.memref_slice %arg7[%dma_wait3A_256, %dma_wait3A_257] : memref<125x80xi32, #tpu.memory_space<vmem>> -> memref<1x80xi32, #tpu.memory_space<vmem>>
    %dma_wait3A_259 = tpu.memref_squeeze %dma_wait3A_258 : memref<1x80xi32, #tpu.memory_space<vmem>> -> memref<80xi32, #tpu.memory_space<vmem>>
    %dma_wait3A_260 = arith.constant 0 : i32
    %dma_wait3A_261 = arith.constant 0 : i32
    %dma_wait3A_262 = tpu.memref_slice %arg19[%dma_wait3A_260, %dma_wait3A_261] : memref<10000x64xf32, #tpu.memory_space<vmem_shared>> -> memref<10000x64xf32, #tpu.memory_space<vmem_shared>>
    tpu.wait_indirect_dma semaphore(%arg32 : memref<!tpu.dma_semaphore, #tpu.memory_space<semaphore_mem>>) src(%arg10 : memref<80x64xf32, #tpu.memory_space<vmem>>) dst(%dma_wait3A_262 : memref<10000x64xf32, #tpu.memory_space<vmem_shared>>)
    %dma_start3A_263 = arith.constant 122 : i32
    %dma_start3A_264 = arith.constant 0 : i32
    %dma_start3A_265 = tpu.memref_slice %arg6[%dma_start3A_263, %dma_start3A_264] : memref<125x80xi32, #tpu.memory_space<vmem>> -> memref<1x80xi32, #tpu.memory_space<vmem>>
    %dma_start3A_266 = tpu.memref_squeeze %dma_start3A_265 : memref<1x80xi32, #tpu.memory_space<vmem>> -> memref<80xi32, #tpu.memory_space<vmem>>
    %dma_start3A_267 = arith.constant 0 : i32
    %dma_start3A_268 = arith.constant 0 : i32
    %dma_start3A_269 = tpu.memref_slice %arg2[%dma_start3A_267, %dma_start3A_268] : memref<20000x64xf32, #tpu.memory_space<hbm>> -> memref<20000x64xf32, #tpu.memory_space<hbm>>
    tpu.enqueue_indirect_dma source(%dma_start3A_269 : memref<20000x64xf32, #tpu.memory_space<hbm>>) target(%arg10 : memref<80x64xf32, #tpu.memory_space<vmem>>) offsets(%dma_start3A_266 : memref<80xi32, #tpu.memory_space<vmem>>) semaphore(%arg22 : memref<!tpu.dma_semaphore, #tpu.memory_space<semaphore_mem>>)
    %dma_wait3A_270 = arith.constant 0 : i32
    %dma_wait3A_271 = arith.constant 0 : i32
    %dma_wait3A_272 = tpu.memref_slice %arg6[%dma_wait3A_270, %dma_wait3A_271] : memref<125x80xi32, #tpu.memory_space<vmem>> -> memref<1x80xi32, #tpu.memory_space<vmem>>
    %dma_wait3A_273 = tpu.memref_squeeze %dma_wait3A_272 : memref<1x80xi32, #tpu.memory_space<vmem>> -> memref<80xi32, #tpu.memory_space<vmem>>
    %dma_wait3A_274 = arith.constant 0 : i32
    %dma_wait3A_275 = arith.constant 0 : i32
    %dma_wait3A_276 = tpu.memref_slice %arg2[%dma_wait3A_274, %dma_wait3A_275] : memref<20000x64xf32, #tpu.memory_space<hbm>> -> memref<20000x64xf32, #tpu.memory_space<hbm>>
    tpu.wait_indirect_dma semaphore(%arg28 : memref<!tpu.dma_semaphore, #tpu.memory_space<semaphore_mem>>) src(%dma_wait3A_276 : memref<20000x64xf32, #tpu.memory_space<hbm>>) dst(%arg16 : memref<80x64xf32, #tpu.memory_space<vmem>>)
    %dma_start3A_277 = arith.constant 118 : i32
    %dma_start3A_278 = arith.constant 0 : i32
    %dma_start3A_279 = tpu.memref_slice %arg7[%dma_start3A_277, %dma_start3A_278] : memref<125x80xi32, #tpu.memory_space<vmem>> -> memref<1x80xi32, #tpu.memory_space<vmem>>
    %dma_start3A_280 = tpu.memref_squeeze %dma_start3A_279 : memref<1x80xi32, #tpu.memory_space<vmem>> -> memref<80xi32, #tpu.memory_space<vmem>>
    %dma_start3A_281 = arith.constant 0 : i32
    %dma_start3A_282 = arith.constant 0 : i32
    %dma_start3A_283 = tpu.memref_slice %arg19[%dma_start3A_281, %dma_start3A_282] : memref<10000x64xf32, #tpu.memory_space<vmem_shared>> -> memref<10000x64xf32, #tpu.memory_space<vmem_shared>>
    tpu.enqueue_indirect_dma source(%arg16 : memref<80x64xf32, #tpu.memory_space<vmem>>) target(%dma_start3A_283 : memref<10000x64xf32, #tpu.memory_space<vmem_shared>>) offsets(%dma_start3A_280 : memref<80xi32, #tpu.memory_space<vmem>>) semaphore(%arg38 : memref<!tpu.dma_semaphore, #tpu.memory_space<semaphore_mem>>) {add = true}
    %dma_wait3A_284 = arith.constant 0 : i32
    %dma_wait3A_285 = arith.constant 0 : i32
    %dma_wait3A_286 = tpu.memref_slice %arg7[%dma_wait3A_284, %dma_wait3A_285] : memref<125x80xi32, #tpu.memory_space<vmem>> -> memref<1x80xi32, #tpu.memory_space<vmem>>
    %dma_wait3A_287 = tpu.memref_squeeze %dma_wait3A_286 : memref<1x80xi32, #tpu.memory_space<vmem>> -> memref<80xi32, #tpu.memory_space<vmem>>
    %dma_wait3A_288 = arith.constant 0 : i32
    %dma_wait3A_289 = arith.constant 0 : i32
    %dma_wait3A_290 = tpu.memref_slice %arg19[%dma_wait3A_288, %dma_wait3A_289] : memref<10000x64xf32, #tpu.memory_space<vmem_shared>> -> memref<10000x64xf32, #tpu.memory_space<vmem_shared>>
    tpu.wait_indirect_dma semaphore(%arg33 : memref<!tpu.dma_semaphore, #tpu.memory_space<semaphore_mem>>) src(%arg11 : memref<80x64xf32, #tpu.memory_space<vmem>>) dst(%dma_wait3A_290 : memref<10000x64xf32, #tpu.memory_space<vmem_shared>>)
    %dma_start3A_291 = arith.constant 123 : i32
    %dma_start3A_292 = arith.constant 0 : i32
    %dma_start3A_293 = tpu.memref_slice %arg6[%dma_start3A_291, %dma_start3A_292] : memref<125x80xi32, #tpu.memory_space<vmem>> -> memref<1x80xi32, #tpu.memory_space<vmem>>
    %dma_start3A_294 = tpu.memref_squeeze %dma_start3A_293 : memref<1x80xi32, #tpu.memory_space<vmem>> -> memref<80xi32, #tpu.memory_space<vmem>>
    %dma_start3A_295 = arith.constant 0 : i32
    %dma_start3A_296 = arith.constant 0 : i32
    %dma_start3A_297 = tpu.memref_slice %arg2[%dma_start3A_295, %dma_start3A_296] : memref<20000x64xf32, #tpu.memory_space<hbm>> -> memref<20000x64xf32, #tpu.memory_space<hbm>>
    tpu.enqueue_indirect_dma source(%dma_start3A_297 : memref<20000x64xf32, #tpu.memory_space<hbm>>) target(%arg11 : memref<80x64xf32, #tpu.memory_space<vmem>>) offsets(%dma_start3A_294 : memref<80xi32, #tpu.memory_space<vmem>>) semaphore(%arg23 : memref<!tpu.dma_semaphore, #tpu.memory_space<semaphore_mem>>)
    %dma_wait3A_298 = arith.constant 0 : i32
    %dma_wait3A_299 = arith.constant 0 : i32
    %dma_wait3A_300 = tpu.memref_slice %arg6[%dma_wait3A_298, %dma_wait3A_299] : memref<125x80xi32, #tpu.memory_space<vmem>> -> memref<1x80xi32, #tpu.memory_space<vmem>>
    %dma_wait3A_301 = tpu.memref_squeeze %dma_wait3A_300 : memref<1x80xi32, #tpu.memory_space<vmem>> -> memref<80xi32, #tpu.memory_space<vmem>>
    %dma_wait3A_302 = arith.constant 0 : i32
    %dma_wait3A_303 = arith.constant 0 : i32
    %dma_wait3A_304 = tpu.memref_slice %arg2[%dma_wait3A_302, %dma_wait3A_303] : memref<20000x64xf32, #tpu.memory_space<hbm>> -> memref<20000x64xf32, #tpu.memory_space<hbm>>
    tpu.wait_indirect_dma semaphore(%arg29 : memref<!tpu.dma_semaphore, #tpu.memory_space<semaphore_mem>>) src(%dma_wait3A_304 : memref<20000x64xf32, #tpu.memory_space<hbm>>) dst(%arg17 : memref<80x64xf32, #tpu.memory_space<vmem>>)
    %dma_start3A_305 = arith.constant 119 : i32
    %dma_start3A_306 = arith.constant 0 : i32
    %dma_start3A_307 = tpu.memref_slice %arg7[%dma_start3A_305, %dma_start3A_306] : memref<125x80xi32, #tpu.memory_space<vmem>> -> memref<1x80xi32, #tpu.memory_space<vmem>>
    %dma_start3A_308 = tpu.memref_squeeze %dma_start3A_307 : memref<1x80xi32, #tpu.memory_space<vmem>> -> memref<80xi32, #tpu.memory_space<vmem>>
    %dma_start3A_309 = arith.constant 0 : i32
    %dma_start3A_310 = arith.constant 0 : i32
    %dma_start3A_311 = tpu.memref_slice %arg19[%dma_start3A_309, %dma_start3A_310] : memref<10000x64xf32, #tpu.memory_space<vmem_shared>> -> memref<10000x64xf32, #tpu.memory_space<vmem_shared>>
    tpu.enqueue_indirect_dma source(%arg17 : memref<80x64xf32, #tpu.memory_space<vmem>>) target(%dma_start3A_311 : memref<10000x64xf32, #tpu.memory_space<vmem_shared>>) offsets(%dma_start3A_308 : memref<80xi32, #tpu.memory_space<vmem>>) semaphore(%arg39 : memref<!tpu.dma_semaphore, #tpu.memory_space<semaphore_mem>>) {add = true}
    %dma_wait3A_312 = arith.constant 0 : i32
    %dma_wait3A_313 = arith.constant 0 : i32
    %dma_wait3A_314 = tpu.memref_slice %arg7[%dma_wait3A_312, %dma_wait3A_313] : memref<125x80xi32, #tpu.memory_space<vmem>> -> memref<1x80xi32, #tpu.memory_space<vmem>>
    %dma_wait3A_315 = tpu.memref_squeeze %dma_wait3A_314 : memref<1x80xi32, #tpu.memory_space<vmem>> -> memref<80xi32, #tpu.memory_space<vmem>>
    %dma_wait3A_316 = arith.constant 0 : i32
    %dma_wait3A_317 = arith.constant 0 : i32
    %dma_wait3A_318 = tpu.memref_slice %arg19[%dma_wait3A_316, %dma_wait3A_317] : memref<10000x64xf32, #tpu.memory_space<vmem_shared>> -> memref<10000x64xf32, #tpu.memory_space<vmem_shared>>
    tpu.wait_indirect_dma semaphore(%arg34 : memref<!tpu.dma_semaphore, #tpu.memory_space<semaphore_mem>>) src(%arg12 : memref<80x64xf32, #tpu.memory_space<vmem>>) dst(%dma_wait3A_318 : memref<10000x64xf32, #tpu.memory_space<vmem_shared>>)
    %dma_start3A_319 = arith.constant 124 : i32
    %dma_start3A_320 = arith.constant 0 : i32
    %dma_start3A_321 = tpu.memref_slice %arg6[%dma_start3A_319, %dma_start3A_320] : memref<125x80xi32, #tpu.memory_space<vmem>> -> memref<1x80xi32, #tpu.memory_space<vmem>>
    %dma_start3A_322 = tpu.memref_squeeze %dma_start3A_321 : memref<1x80xi32, #tpu.memory_space<vmem>> -> memref<80xi32, #tpu.memory_space<vmem>>
    %dma_start3A_323 = arith.constant 0 : i32
    %dma_start3A_324 = arith.constant 0 : i32
    %dma_start3A_325 = tpu.memref_slice %arg2[%dma_start3A_323, %dma_start3A_324] : memref<20000x64xf32, #tpu.memory_space<hbm>> -> memref<20000x64xf32, #tpu.memory_space<hbm>>
    tpu.enqueue_indirect_dma source(%dma_start3A_325 : memref<20000x64xf32, #tpu.memory_space<hbm>>) target(%arg12 : memref<80x64xf32, #tpu.memory_space<vmem>>) offsets(%dma_start3A_322 : memref<80xi32, #tpu.memory_space<vmem>>) semaphore(%arg24 : memref<!tpu.dma_semaphore, #tpu.memory_space<semaphore_mem>>)
    %dma_wait3A_326 = arith.constant 0 : i32
    %dma_wait3A_327 = arith.constant 0 : i32
    %dma_wait3A_328 = tpu.memref_slice %arg6[%dma_wait3A_326, %dma_wait3A_327] : memref<125x80xi32, #tpu.memory_space<vmem>> -> memref<1x80xi32, #tpu.memory_space<vmem>>
    %dma_wait3A_329 = tpu.memref_squeeze %dma_wait3A_328 : memref<1x80xi32, #tpu.memory_space<vmem>> -> memref<80xi32, #tpu.memory_space<vmem>>
    %dma_wait3A_330 = arith.constant 0 : i32
    %dma_wait3A_331 = arith.constant 0 : i32
    %dma_wait3A_332 = tpu.memref_slice %arg2[%dma_wait3A_330, %dma_wait3A_331] : memref<20000x64xf32, #tpu.memory_space<hbm>> -> memref<20000x64xf32, #tpu.memory_space<hbm>>
    tpu.wait_indirect_dma semaphore(%arg20 : memref<!tpu.dma_semaphore, #tpu.memory_space<semaphore_mem>>) src(%dma_wait3A_332 : memref<20000x64xf32, #tpu.memory_space<hbm>>) dst(%arg8 : memref<80x64xf32, #tpu.memory_space<vmem>>)
    %dma_start3A_333 = arith.constant 120 : i32
    %dma_start3A_334 = arith.constant 0 : i32
    %dma_start3A_335 = tpu.memref_slice %arg7[%dma_start3A_333, %dma_start3A_334] : memref<125x80xi32, #tpu.memory_space<vmem>> -> memref<1x80xi32, #tpu.memory_space<vmem>>
    %dma_start3A_336 = tpu.memref_squeeze %dma_start3A_335 : memref<1x80xi32, #tpu.memory_space<vmem>> -> memref<80xi32, #tpu.memory_space<vmem>>
    %dma_start3A_337 = arith.constant 0 : i32
    %dma_start3A_338 = arith.constant 0 : i32
    %dma_start3A_339 = tpu.memref_slice %arg19[%dma_start3A_337, %dma_start3A_338] : memref<10000x64xf32, #tpu.memory_space<vmem_shared>> -> memref<10000x64xf32, #tpu.memory_space<vmem_shared>>
    tpu.enqueue_indirect_dma source(%arg8 : memref<80x64xf32, #tpu.memory_space<vmem>>) target(%dma_start3A_339 : memref<10000x64xf32, #tpu.memory_space<vmem_shared>>) offsets(%dma_start3A_336 : memref<80xi32, #tpu.memory_space<vmem>>) semaphore(%arg30 : memref<!tpu.dma_semaphore, #tpu.memory_space<semaphore_mem>>) {add = true}
    %dma_wait3A_340 = arith.constant 0 : i32
    %dma_wait3A_341 = arith.constant 0 : i32
    %dma_wait3A_342 = tpu.memref_slice %arg7[%dma_wait3A_340, %dma_wait3A_341] : memref<125x80xi32, #tpu.memory_space<vmem>> -> memref<1x80xi32, #tpu.memory_space<vmem>>
    %dma_wait3A_343 = tpu.memref_squeeze %dma_wait3A_342 : memref<1x80xi32, #tpu.memory_space<vmem>> -> memref<80xi32, #tpu.memory_space<vmem>>
    %dma_wait3A_344 = arith.constant 0 : i32
    %dma_wait3A_345 = arith.constant 0 : i32
    %dma_wait3A_346 = tpu.memref_slice %arg19[%dma_wait3A_344, %dma_wait3A_345] : memref<10000x64xf32, #tpu.memory_space<vmem_shared>> -> memref<10000x64xf32, #tpu.memory_space<vmem_shared>>
    tpu.wait_indirect_dma semaphore(%arg35 : memref<!tpu.dma_semaphore, #tpu.memory_space<semaphore_mem>>) src(%arg13 : memref<80x64xf32, #tpu.memory_space<vmem>>) dst(%dma_wait3A_346 : memref<10000x64xf32, #tpu.memory_space<vmem_shared>>)
    %dma_wait3A_347 = arith.constant 0 : i32
    %dma_wait3A_348 = arith.constant 0 : i32
    %dma_wait3A_349 = tpu.memref_slice %arg6[%dma_wait3A_347, %dma_wait3A_348] : memref<125x80xi32, #tpu.memory_space<vmem>> -> memref<1x80xi32, #tpu.memory_space<vmem>>
    %dma_wait3A_350 = tpu.memref_squeeze %dma_wait3A_349 : memref<1x80xi32, #tpu.memory_space<vmem>> -> memref<80xi32, #tpu.memory_space<vmem>>
    %dma_wait3A_351 = arith.constant 0 : i32
    %dma_wait3A_352 = arith.constant 0 : i32
    %dma_wait3A_353 = tpu.memref_slice %arg2[%dma_wait3A_351, %dma_wait3A_352] : memref<20000x64xf32, #tpu.memory_space<hbm>> -> memref<20000x64xf32, #tpu.memory_space<hbm>>
    tpu.wait_indirect_dma semaphore(%arg21 : memref<!tpu.dma_semaphore, #tpu.memory_space<semaphore_mem>>) src(%dma_wait3A_353 : memref<20000x64xf32, #tpu.memory_space<hbm>>) dst(%arg9 : memref<80x64xf32, #tpu.memory_space<vmem>>)
    %dma_start3A_354 = arith.constant 121 : i32
    %dma_start3A_355 = arith.constant 0 : i32
    %dma_start3A_356 = tpu.memref_slice %arg7[%dma_start3A_354, %dma_start3A_355] : memref<125x80xi32, #tpu.memory_space<vmem>> -> memref<1x80xi32, #tpu.memory_space<vmem>>
    %dma_start3A_357 = tpu.memref_squeeze %dma_start3A_356 : memref<1x80xi32, #tpu.memory_space<vmem>> -> memref<80xi32, #tpu.memory_space<vmem>>
    %dma_start3A_358 = arith.constant 0 : i32
    %dma_start3A_359 = arith.constant 0 : i32
    %dma_start3A_360 = tpu.memref_slice %arg19[%dma_start3A_358, %dma_start3A_359] : memref<10000x64xf32, #tpu.memory_space<vmem_shared>> -> memref<10000x64xf32, #tpu.memory_space<vmem_shared>>
    tpu.enqueue_indirect_dma source(%arg9 : memref<80x64xf32, #tpu.memory_space<vmem>>) target(%dma_start3A_360 : memref<10000x64xf32, #tpu.memory_space<vmem_shared>>) offsets(%dma_start3A_357 : memref<80xi32, #tpu.memory_space<vmem>>) semaphore(%arg31 : memref<!tpu.dma_semaphore, #tpu.memory_space<semaphore_mem>>) {add = true}
    %dma_wait3A_361 = arith.constant 0 : i32
    %dma_wait3A_362 = arith.constant 0 : i32
    %dma_wait3A_363 = tpu.memref_slice %arg7[%dma_wait3A_361, %dma_wait3A_362] : memref<125x80xi32, #tpu.memory_space<vmem>> -> memref<1x80xi32, #tpu.memory_space<vmem>>
    %dma_wait3A_364 = tpu.memref_squeeze %dma_wait3A_363 : memref<1x80xi32, #tpu.memory_space<vmem>> -> memref<80xi32, #tpu.memory_space<vmem>>
    %dma_wait3A_365 = arith.constant 0 : i32
    %dma_wait3A_366 = arith.constant 0 : i32
    %dma_wait3A_367 = tpu.memref_slice %arg19[%dma_wait3A_365, %dma_wait3A_366] : memref<10000x64xf32, #tpu.memory_space<vmem_shared>> -> memref<10000x64xf32, #tpu.memory_space<vmem_shared>>
    tpu.wait_indirect_dma semaphore(%arg36 : memref<!tpu.dma_semaphore, #tpu.memory_space<semaphore_mem>>) src(%arg14 : memref<80x64xf32, #tpu.memory_space<vmem>>) dst(%dma_wait3A_367 : memref<10000x64xf32, #tpu.memory_space<vmem_shared>>)
    %dma_wait3A_368 = arith.constant 0 : i32
    %dma_wait3A_369 = arith.constant 0 : i32
    %dma_wait3A_370 = tpu.memref_slice %arg6[%dma_wait3A_368, %dma_wait3A_369] : memref<125x80xi32, #tpu.memory_space<vmem>> -> memref<1x80xi32, #tpu.memory_space<vmem>>
    %dma_wait3A_371 = tpu.memref_squeeze %dma_wait3A_370 : memref<1x80xi32, #tpu.memory_space<vmem>> -> memref<80xi32, #tpu.memory_space<vmem>>
    %dma_wait3A_372 = arith.constant 0 : i32
    %dma_wait3A_373 = arith.constant 0 : i32
    %dma_wait3A_374 = tpu.memref_slice %arg2[%dma_wait3A_372, %dma_wait3A_373] : memref<20000x64xf32, #tpu.memory_space<hbm>> -> memref<20000x64xf32, #tpu.memory_space<hbm>>
    tpu.wait_indirect_dma semaphore(%arg22 : memref<!tpu.dma_semaphore, #tpu.memory_space<semaphore_mem>>) src(%dma_wait3A_374 : memref<20000x64xf32, #tpu.memory_space<hbm>>) dst(%arg10 : memref<80x64xf32, #tpu.memory_space<vmem>>)
    %dma_start3A_375 = arith.constant 122 : i32
    %dma_start3A_376 = arith.constant 0 : i32
    %dma_start3A_377 = tpu.memref_slice %arg7[%dma_start3A_375, %dma_start3A_376] : memref<125x80xi32, #tpu.memory_space<vmem>> -> memref<1x80xi32, #tpu.memory_space<vmem>>
    %dma_start3A_378 = tpu.memref_squeeze %dma_start3A_377 : memref<1x80xi32, #tpu.memory_space<vmem>> -> memref<80xi32, #tpu.memory_space<vmem>>
    %dma_start3A_379 = arith.constant 0 : i32
    %dma_start3A_380 = arith.constant 0 : i32
    %dma_start3A_381 = tpu.memref_slice %arg19[%dma_start3A_379, %dma_start3A_380] : memref<10000x64xf32, #tpu.memory_space<vmem_shared>> -> memref<10000x64xf32, #tpu.memory_space<vmem_shared>>
    tpu.enqueue_indirect_dma source(%arg10 : memref<80x64xf32, #tpu.memory_space<vmem>>) target(%dma_start3A_381 : memref<10000x64xf32, #tpu.memory_space<vmem_shared>>) offsets(%dma_start3A_378 : memref<80xi32, #tpu.memory_space<vmem>>) semaphore(%arg32 : memref<!tpu.dma_semaphore, #tpu.memory_space<semaphore_mem>>) {add = true}
    %dma_wait3A_382 = arith.constant 0 : i32
    %dma_wait3A_383 = arith.constant 0 : i32
    %dma_wait3A_384 = tpu.memref_slice %arg7[%dma_wait3A_382, %dma_wait3A_383] : memref<125x80xi32, #tpu.memory_space<vmem>> -> memref<1x80xi32, #tpu.memory_space<vmem>>
    %dma_wait3A_385 = tpu.memref_squeeze %dma_wait3A_384 : memref<1x80xi32, #tpu.memory_space<vmem>> -> memref<80xi32, #tpu.memory_space<vmem>>
    %dma_wait3A_386 = arith.constant 0 : i32
    %dma_wait3A_387 = arith.constant 0 : i32
    %dma_wait3A_388 = tpu.memref_slice %arg19[%dma_wait3A_386, %dma_wait3A_387] : memref<10000x64xf32, #tpu.memory_space<vmem_shared>> -> memref<10000x64xf32, #tpu.memory_space<vmem_shared>>
    tpu.wait_indirect_dma semaphore(%arg37 : memref<!tpu.dma_semaphore, #tpu.memory_space<semaphore_mem>>) src(%arg15 : memref<80x64xf32, #tpu.memory_space<vmem>>) dst(%dma_wait3A_388 : memref<10000x64xf32, #tpu.memory_space<vmem_shared>>)
    %dma_wait3A_389 = arith.constant 0 : i32
    %dma_wait3A_390 = arith.constant 0 : i32
    %dma_wait3A_391 = tpu.memref_slice %arg6[%dma_wait3A_389, %dma_wait3A_390] : memref<125x80xi32, #tpu.memory_space<vmem>> -> memref<1x80xi32, #tpu.memory_space<vmem>>
    %dma_wait3A_392 = tpu.memref_squeeze %dma_wait3A_391 : memref<1x80xi32, #tpu.memory_space<vmem>> -> memref<80xi32, #tpu.memory_space<vmem>>
    %dma_wait3A_393 = arith.constant 0 : i32
    %dma_wait3A_394 = arith.constant 0 : i32
    %dma_wait3A_395 = tpu.memref_slice %arg2[%dma_wait3A_393, %dma_wait3A_394] : memref<20000x64xf32, #tpu.memory_space<hbm>> -> memref<20000x64xf32, #tpu.memory_space<hbm>>
    tpu.wait_indirect_dma semaphore(%arg23 : memref<!tpu.dma_semaphore, #tpu.memory_space<semaphore_mem>>) src(%dma_wait3A_395 : memref<20000x64xf32, #tpu.memory_space<hbm>>) dst(%arg11 : memref<80x64xf32, #tpu.memory_space<vmem>>)
    %dma_start3A_396 = arith.constant 123 : i32
    %dma_start3A_397 = arith.constant 0 : i32
    %dma_start3A_398 = tpu.memref_slice %arg7[%dma_start3A_396, %dma_start3A_397] : memref<125x80xi32, #tpu.memory_space<vmem>> -> memref<1x80xi32, #tpu.memory_space<vmem>>
    %dma_start3A_399 = tpu.memref_squeeze %dma_start3A_398 : memref<1x80xi32, #tpu.memory_space<vmem>> -> memref<80xi32, #tpu.memory_space<vmem>>
    %dma_start3A_400 = arith.constant 0 : i32
    %dma_start3A_401 = arith.constant 0 : i32
    %dma_start3A_402 = tpu.memref_slice %arg19[%dma_start3A_400, %dma_start3A_401] : memref<10000x64xf32, #tpu.memory_space<vmem_shared>> -> memref<10000x64xf32, #tpu.memory_space<vmem_shared>>
    tpu.enqueue_indirect_dma source(%arg11 : memref<80x64xf32, #tpu.memory_space<vmem>>) target(%dma_start3A_402 : memref<10000x64xf32, #tpu.memory_space<vmem_shared>>) offsets(%dma_start3A_399 : memref<80xi32, #tpu.memory_space<vmem>>) semaphore(%arg33 : memref<!tpu.dma_semaphore, #tpu.memory_space<semaphore_mem>>) {add = true}
    %dma_wait3A_403 = arith.constant 0 : i32
    %dma_wait3A_404 = arith.constant 0 : i32
    %dma_wait3A_405 = tpu.memref_slice %arg7[%dma_wait3A_403, %dma_wait3A_404] : memref<125x80xi32, #tpu.memory_space<vmem>> -> memref<1x80xi32, #tpu.memory_space<vmem>>
    %dma_wait3A_406 = tpu.memref_squeeze %dma_wait3A_405 : memref<1x80xi32, #tpu.memory_space<vmem>> -> memref<80xi32, #tpu.memory_space<vmem>>
    %dma_wait3A_407 = arith.constant 0 : i32
    %dma_wait3A_408 = arith.constant 0 : i32
    %dma_wait3A_409 = tpu.memref_slice %arg19[%dma_wait3A_407, %dma_wait3A_408] : memref<10000x64xf32, #tpu.memory_space<vmem_shared>> -> memref<10000x64xf32, #tpu.memory_space<vmem_shared>>
    tpu.wait_indirect_dma semaphore(%arg38 : memref<!tpu.dma_semaphore, #tpu.memory_space<semaphore_mem>>) src(%arg16 : memref<80x64xf32, #tpu.memory_space<vmem>>) dst(%dma_wait3A_409 : memref<10000x64xf32, #tpu.memory_space<vmem_shared>>)
    %dma_wait3A_410 = arith.constant 0 : i32
    %dma_wait3A_411 = arith.constant 0 : i32
    %dma_wait3A_412 = tpu.memref_slice %arg6[%dma_wait3A_410, %dma_wait3A_411] : memref<125x80xi32, #tpu.memory_space<vmem>> -> memref<1x80xi32, #tpu.memory_space<vmem>>
    %dma_wait3A_413 = tpu.memref_squeeze %dma_wait3A_412 : memref<1x80xi32, #tpu.memory_space<vmem>> -> memref<80xi32, #tpu.memory_space<vmem>>
    %dma_wait3A_414 = arith.constant 0 : i32
    %dma_wait3A_415 = arith.constant 0 : i32
    %dma_wait3A_416 = tpu.memref_slice %arg2[%dma_wait3A_414, %dma_wait3A_415] : memref<20000x64xf32, #tpu.memory_space<hbm>> -> memref<20000x64xf32, #tpu.memory_space<hbm>>
    tpu.wait_indirect_dma semaphore(%arg24 : memref<!tpu.dma_semaphore, #tpu.memory_space<semaphore_mem>>) src(%dma_wait3A_416 : memref<20000x64xf32, #tpu.memory_space<hbm>>) dst(%arg12 : memref<80x64xf32, #tpu.memory_space<vmem>>)
    %dma_start3A_417 = arith.constant 124 : i32
    %dma_start3A_418 = arith.constant 0 : i32
    %dma_start3A_419 = tpu.memref_slice %arg7[%dma_start3A_417, %dma_start3A_418] : memref<125x80xi32, #tpu.memory_space<vmem>> -> memref<1x80xi32, #tpu.memory_space<vmem>>
    %dma_start3A_420 = tpu.memref_squeeze %dma_start3A_419 : memref<1x80xi32, #tpu.memory_space<vmem>> -> memref<80xi32, #tpu.memory_space<vmem>>
    %dma_start3A_421 = arith.constant 0 : i32
    %dma_start3A_422 = arith.constant 0 : i32
    %dma_start3A_423 = tpu.memref_slice %arg19[%dma_start3A_421, %dma_start3A_422] : memref<10000x64xf32, #tpu.memory_space<vmem_shared>> -> memref<10000x64xf32, #tpu.memory_space<vmem_shared>>
    tpu.enqueue_indirect_dma source(%arg12 : memref<80x64xf32, #tpu.memory_space<vmem>>) target(%dma_start3A_423 : memref<10000x64xf32, #tpu.memory_space<vmem_shared>>) offsets(%dma_start3A_420 : memref<80xi32, #tpu.memory_space<vmem>>) semaphore(%arg34 : memref<!tpu.dma_semaphore, #tpu.memory_space<semaphore_mem>>) {add = true}
    %dma_wait3A_424 = arith.constant 0 : i32
    %dma_wait3A_425 = arith.constant 0 : i32
    %dma_wait3A_426 = tpu.memref_slice %arg7[%dma_wait3A_424, %dma_wait3A_425] : memref<125x80xi32, #tpu.memory_space<vmem>> -> memref<1x80xi32, #tpu.memory_space<vmem>>
    %dma_wait3A_427 = tpu.memref_squeeze %dma_wait3A_426 : memref<1x80xi32, #tpu.memory_space<vmem>> -> memref<80xi32, #tpu.memory_space<vmem>>
    %dma_wait3A_428 = arith.constant 0 : i32
    %dma_wait3A_429 = arith.constant 0 : i32
    %dma_wait3A_430 = tpu.memref_slice %arg19[%dma_wait3A_428, %dma_wait3A_429] : memref<10000x64xf32, #tpu.memory_space<vmem_shared>> -> memref<10000x64xf32, #tpu.memory_space<vmem_shared>>
    tpu.wait_indirect_dma semaphore(%arg39 : memref<!tpu.dma_semaphore, #tpu.memory_space<semaphore_mem>>) src(%arg17 : memref<80x64xf32, #tpu.memory_space<vmem>>) dst(%dma_wait3A_430 : memref<10000x64xf32, #tpu.memory_space<vmem_shared>>)
    %dma_wait3A_431 = arith.constant 0 : i32
    %dma_wait3A_432 = arith.constant 0 : i32
    %dma_wait3A_433 = tpu.memref_slice %arg7[%dma_wait3A_431, %dma_wait3A_432] : memref<125x80xi32, #tpu.memory_space<vmem>> -> memref<1x80xi32, #tpu.memory_space<vmem>>
    %dma_wait3A_434 = tpu.memref_squeeze %dma_wait3A_433 : memref<1x80xi32, #tpu.memory_space<vmem>> -> memref<80xi32, #tpu.memory_space<vmem>>
    %dma_wait3A_435 = arith.constant 0 : i32
    %dma_wait3A_436 = arith.constant 0 : i32
    %dma_wait3A_437 = tpu.memref_slice %arg19[%dma_wait3A_435, %dma_wait3A_436] : memref<10000x64xf32, #tpu.memory_space<vmem_shared>> -> memref<10000x64xf32, #tpu.memory_space<vmem_shared>>
    tpu.wait_indirect_dma semaphore(%arg30 : memref<!tpu.dma_semaphore, #tpu.memory_space<semaphore_mem>>) src(%arg8 : memref<80x64xf32, #tpu.memory_space<vmem>>) dst(%dma_wait3A_437 : memref<10000x64xf32, #tpu.memory_space<vmem_shared>>)
    %dma_wait3A_438 = arith.constant 0 : i32
    %dma_wait3A_439 = arith.constant 0 : i32
    %dma_wait3A_440 = tpu.memref_slice %arg7[%dma_wait3A_438, %dma_wait3A_439] : memref<125x80xi32, #tpu.memory_space<vmem>> -> memref<1x80xi32, #tpu.memory_space<vmem>>
    %dma_wait3A_441 = tpu.memref_squeeze %dma_wait3A_440 : memref<1x80xi32, #tpu.memory_space<vmem>> -> memref<80xi32, #tpu.memory_space<vmem>>
    %dma_wait3A_442 = arith.constant 0 : i32
    %dma_wait3A_443 = arith.constant 0 : i32
    %dma_wait3A_444 = tpu.memref_slice %arg19[%dma_wait3A_442, %dma_wait3A_443] : memref<10000x64xf32, #tpu.memory_space<vmem_shared>> -> memref<10000x64xf32, #tpu.memory_space<vmem_shared>>
    tpu.wait_indirect_dma semaphore(%arg31 : memref<!tpu.dma_semaphore, #tpu.memory_space<semaphore_mem>>) src(%arg9 : memref<80x64xf32, #tpu.memory_space<vmem>>) dst(%dma_wait3A_444 : memref<10000x64xf32, #tpu.memory_space<vmem_shared>>)
    %dma_wait3A_445 = arith.constant 0 : i32
    %dma_wait3A_446 = arith.constant 0 : i32
    %dma_wait3A_447 = tpu.memref_slice %arg7[%dma_wait3A_445, %dma_wait3A_446] : memref<125x80xi32, #tpu.memory_space<vmem>> -> memref<1x80xi32, #tpu.memory_space<vmem>>
    %dma_wait3A_448 = tpu.memref_squeeze %dma_wait3A_447 : memref<1x80xi32, #tpu.memory_space<vmem>> -> memref<80xi32, #tpu.memory_space<vmem>>
    %dma_wait3A_449 = arith.constant 0 : i32
    %dma_wait3A_450 = arith.constant 0 : i32
    %dma_wait3A_451 = tpu.memref_slice %arg19[%dma_wait3A_449, %dma_wait3A_450] : memref<10000x64xf32, #tpu.memory_space<vmem_shared>> -> memref<10000x64xf32, #tpu.memory_space<vmem_shared>>
    tpu.wait_indirect_dma semaphore(%arg32 : memref<!tpu.dma_semaphore, #tpu.memory_space<semaphore_mem>>) src(%arg10 : memref<80x64xf32, #tpu.memory_space<vmem>>) dst(%dma_wait3A_451 : memref<10000x64xf32, #tpu.memory_space<vmem_shared>>)
    %dma_wait3A_452 = arith.constant 0 : i32
    %dma_wait3A_453 = arith.constant 0 : i32
    %dma_wait3A_454 = tpu.memref_slice %arg7[%dma_wait3A_452, %dma_wait3A_453] : memref<125x80xi32, #tpu.memory_space<vmem>> -> memref<1x80xi32, #tpu.memory_space<vmem>>
    %dma_wait3A_455 = tpu.memref_squeeze %dma_wait3A_454 : memref<1x80xi32, #tpu.memory_space<vmem>> -> memref<80xi32, #tpu.memory_space<vmem>>
    %dma_wait3A_456 = arith.constant 0 : i32
    %dma_wait3A_457 = arith.constant 0 : i32
    %dma_wait3A_458 = tpu.memref_slice %arg19[%dma_wait3A_456, %dma_wait3A_457] : memref<10000x64xf32, #tpu.memory_space<vmem_shared>> -> memref<10000x64xf32, #tpu.memory_space<vmem_shared>>
    tpu.wait_indirect_dma semaphore(%arg33 : memref<!tpu.dma_semaphore, #tpu.memory_space<semaphore_mem>>) src(%arg11 : memref<80x64xf32, #tpu.memory_space<vmem>>) dst(%dma_wait3A_458 : memref<10000x64xf32, #tpu.memory_space<vmem_shared>>)
    %dma_wait3A_459 = arith.constant 0 : i32
    %dma_wait3A_460 = arith.constant 0 : i32
    %dma_wait3A_461 = tpu.memref_slice %arg7[%dma_wait3A_459, %dma_wait3A_460] : memref<125x80xi32, #tpu.memory_space<vmem>> -> memref<1x80xi32, #tpu.memory_space<vmem>>
    %dma_wait3A_462 = tpu.memref_squeeze %dma_wait3A_461 : memref<1x80xi32, #tpu.memory_space<vmem>> -> memref<80xi32, #tpu.memory_space<vmem>>
    %dma_wait3A_463 = arith.constant 0 : i32
    %dma_wait3A_464 = arith.constant 0 : i32
    %dma_wait3A_465 = tpu.memref_slice %arg19[%dma_wait3A_463, %dma_wait3A_464] : memref<10000x64xf32, #tpu.memory_space<vmem_shared>> -> memref<10000x64xf32, #tpu.memory_space<vmem_shared>>
    tpu.wait_indirect_dma semaphore(%arg34 : memref<!tpu.dma_semaphore, #tpu.memory_space<semaphore_mem>>) src(%arg12 : memref<80x64xf32, #tpu.memory_space<vmem>>) dst(%dma_wait3A_465 : memref<10000x64xf32, #tpu.memory_space<vmem_shared>>)
    %barrier3A_466 = arith.constant 0 : index
    tpu.barrier barrier_id(%barrier3A_466)
    %mul3A_467 = arith.constant 625 : i32
    %mul3A_468 = arith.muli %arg1, %mul3A_467 : i32
    %mul3A_469 = arith.constant 64 : i32
    %mul3A_470 = arith.muli %arg0, %mul3A_469 : i32
    "tpu.region"() ({
      %run_scoped3A = tpu.sem_alloc : memref<!tpu.dma_semaphore, #tpu.memory_space<semaphore_mem>>
      %dma_start3A_471 = tpu.memref_slice %arg5[%mul3A_468, %mul3A_470] : memref<10000x128xf32, #tpu.memory_space<hbm>> -> memref<625x64xf32, #tpu.memory_space<hbm>>
      %dma_start3A_472 = arith.constant 0 : i32
      %dma_start3A_473 = tpu.memref_slice %arg19[%mul3A_468, %dma_start3A_472] : memref<10000x64xf32, #tpu.memory_space<vmem_shared>> -> memref<625x64xf32, #tpu.memory_space<vmem_shared>>
      tpu.enqueue_dma source(%dma_start3A_473 : memref<625x64xf32, #tpu.memory_space<vmem_shared>>) target(%dma_start3A_471 : memref<625x64xf32, #tpu.memory_space<hbm>>) target_semaphore(%run_scoped3A : memref<!tpu.dma_semaphore, #tpu.memory_space<semaphore_mem>>)
      %dma_wait3A_474 = tpu.memref_slice %arg5[%mul3A_468, %mul3A_470] : memref<10000x128xf32, #tpu.memory_space<hbm>> -> memref<625x64xf32, #tpu.memory_space<hbm>>
      %dma_wait3A_475 = arith.constant 0 : i32
      %dma_wait3A_476 = tpu.memref_slice %arg19[%mul3A_468, %dma_wait3A_475] : memref<10000x64xf32, #tpu.memory_space<vmem_shared>> -> memref<625x64xf32, #tpu.memory_space<vmem_shared>>
      tpu.wait_dma2 semaphore(%run_scoped3A : memref<!tpu.dma_semaphore, #tpu.memory_space<semaphore_mem>>) src(%dma_wait3A_476 : memref<625x64xf32, #tpu.memory_space<vmem_shared>>) dst(%dma_wait3A_474 : memref<625x64xf32, #tpu.memory_space<hbm>>)
      tpu.yield
    }) : () -> ()
    return
  }
}

module attributes {stable_mosaic.version = 14 : i64} {
  func.func @_mlp2_body(%arg0: memref<10000x128xf32, #tpu.memory_space<vmem>>, %arg1: memref<10000x128xf32, #tpu.memory_space<vmem>>, %arg2: memref<1x64xf32, #tpu.memory_space<vmem>>, %arg3: memref<64x64xf32, #tpu.memory_space<vmem>>, %arg4: memref<1x64xf32, #tpu.memory_space<vmem>>, %arg5: memref<10000x64xf32, #tpu.memory_space<vmem>>) attributes {dimension_semantics = [], scalar_prefetch = 0 : i64, scratch_operands = 0 : i64, tpu.core_type = #tpu.core_type<tc>} {
    %get3A = arith.constant 0 : index
    %get3A_0 = arith.constant 0 : index
    %get3A_1 = vector.load %arg1[%get3A, %get3A_0] : memref<10000x128xf32, #tpu.memory_space<vmem>>, vector<10000x128xf32>
    %get3A_2 = arith.constant 0 : index
    %get3A_3 = arith.constant 0 : index
    %get3A_4 = vector.load %arg0[%get3A_2, %get3A_3] : memref<10000x128xf32, #tpu.memory_space<vmem>>, vector<10000x64xf32>
    %slice3A = vector.extract_strided_slice %get3A_1 {offsets = [0, 0], sizes = [10000, 64], strides = [1, 1]} : vector<10000x128xf32> to vector<10000x64xf32>
    %add3A = arith.addf %get3A_4, %slice3A : vector<10000x64xf32>
    %slice3A_5 = vector.extract_strided_slice %get3A_1 {offsets = [0, 64], sizes = [10000, 64], strides = [1, 1]} : vector<10000x128xf32> to vector<10000x64xf32>
    %add3A_6 = arith.addf %add3A, %slice3A_5 : vector<10000x64xf32>
    %get3A_7 = arith.constant 0 : index
    %get3A_8 = arith.constant 0 : index
    %get3A_9 = vector.load %arg2[%get3A_7, %get3A_8] : memref<1x64xf32, #tpu.memory_space<vmem>>, vector<1x64xf32>
    %add3A_10 = vector.broadcast %get3A_9 : vector<1x64xf32> to vector<10000x64xf32>
    %add3A_11 = arith.addf %add3A_6, %add3A_10 : vector<10000x64xf32>
    %max3A = arith.constant 0.000000e+00 : f32
    %max3A_12 = vector.broadcast %max3A : f32 to vector<10000x64xf32>
    %max3A_13 = arith.maximumf %add3A_11, %max3A_12 : vector<10000x64xf32>
    %get3A_14 = arith.constant 0 : index
    %get3A_15 = arith.constant 0 : index
    %get3A_16 = vector.load %arg3[%get3A_14, %get3A_15] : memref<64x64xf32, #tpu.memory_space<vmem>>, vector<64x64xf32>
    %dot_general3A = arith.constant dense<0.000000e+00> : vector<10000x64xf32>
    %dot_general3A_17 = tpu.matmul %max3A_13, %get3A_16, %dot_general3A {dimension_numbers = #tpu.dot_dimension_numbers<[1], [0], [0], [1], [0, 0, 1, 1], [], []>, transpose_lhs_hint = false} : vector<10000x64xf32>, vector<64x64xf32>, vector<10000x64xf32> -> vector<10000x64xf32>
    %get3A_18 = arith.constant 0 : index
    %get3A_19 = arith.constant 0 : index
    %get3A_20 = vector.load %arg4[%get3A_18, %get3A_19] : memref<1x64xf32, #tpu.memory_space<vmem>>, vector<1x64xf32>
    %add3A_21 = vector.broadcast %get3A_20 : vector<1x64xf32> to vector<10000x64xf32>
    %add3A_22 = arith.addf %dot_general3A_17, %add3A_21 : vector<10000x64xf32>
    %swap3A = arith.constant 0 : index
    %swap3A_23 = arith.constant 0 : index
    %swap3A_24 = vector.load %arg5[%swap3A, %swap3A_23] : memref<10000x64xf32, #tpu.memory_space<vmem>>, vector<10000x64xf32>
    tpu.vector_store %arg5[%swap3A, %swap3A_23], %add3A_22 {strides = array<i32>} : memref<10000x64xf32, #tpu.memory_space<vmem>>, vector<10000x64xf32>,
    return
  }
}

module attributes {stable_mosaic.version = 14 : i64} {
  func.func @_mm1_body(%arg0: memref<10000x128xf32, #tpu.memory_space<vmem>>, %arg1: memref<128x64xf32, #tpu.memory_space<vmem>>, %arg2: memref<10000x128xf32, #tpu.memory_space<vmem>>) attributes {dimension_semantics = [], scalar_prefetch = 0 : i64, scratch_operands = 0 : i64, tpu.core_type = #tpu.core_type<tc>} {
    %get3A = arith.constant 0 : index
    %get3A_0 = arith.constant 0 : index
    %get3A_1 = vector.load %arg0[%get3A, %get3A_0] : memref<10000x128xf32, #tpu.memory_space<vmem>>, vector<10000x128xf32>
    %get3A_2 = arith.constant 0 : index
    %get3A_3 = arith.constant 0 : index
    %get3A_4 = vector.load %arg1[%get3A_2, %get3A_3] : memref<128x64xf32, #tpu.memory_space<vmem>>, vector<128x64xf32>
    %dot_general3A = arith.constant dense<0.000000e+00> : vector<10000x64xf32>
    %dot_general3A_5 = tpu.matmul %get3A_1, %get3A_4, %dot_general3A {dimension_numbers = #tpu.dot_dimension_numbers<[1], [0], [0], [1], [0, 0, 1, 1], [], []>, transpose_lhs_hint = false} : vector<10000x128xf32>, vector<128x64xf32>, vector<10000x64xf32> -> vector<10000x64xf32>
    %jit3A = arith.constant 0 : i32
    %convert_element_type3A = arith.sitofp %jit3A : i32 to f32
    %pad3A = vector.broadcast %convert_element_type3A : f32 to vector<10000x64xf32>
    %pad3A_6 = tpu.concatenate %dot_general3A_5, %pad3A in 1 : vector<10000x64xf32>, vector<10000x64xf32> -> vector<10000x128xf32>
    %swap3A = arith.constant 0 : index
    %swap3A_7 = arith.constant 0 : index
    %swap3A_8 = vector.load %arg2[%swap3A, %swap3A_7] : memref<10000x128xf32, #tpu.memory_space<vmem>>, vector<10000x128xf32>
    tpu.vector_store %arg2[%swap3A, %swap3A_7], %pad3A_6 {strides = array<i32>} : memref<10000x128xf32, #tpu.memory_space<vmem>>, vector<10000x128xf32>,
    return
  }
}

</mosaic_0001>

<sc_bundles>
// kernel: kernel.5.cloned.1.call-start
scs
__scs_entry_jumppad:
0x0: {  	(pc) =	sbr.rel $0x88, $3  }
0x1: {  	(tag) =	ssettag $0x0;
	lr =	simm.s32 $0x1  }
0x2: {  	[smem:$0x3F9B] =	sst lr;
	_ =	strace $0xD0000000  }
0x3: {  	_ = 	snop  }
0x4: {  	_ = 	snop  }
0x5: {  	_ = 	snop  }
0x6: {  	_ = 	snop  }
0x7: {  	_ = 	snop  }
__scs_overlays_trampoline_lowered:
0x8: {  	[smem:$0x3FAA] =	sst s0  }
0x9: {  	[smem:$0x3FAB] =	sst s1  }
0xa: {  	[smem:$0x3FAC] =	sst s2  }
0xb: {  	[smem:$0x3FAD] =	sst s3  }
0xc: {  	[smem:$0x3FAE] =	sst s4  }
0xd: {  	[smem:$0x3FAF] =	sst s5  }
0xe: {  	[smem:$0x3FB0] =	sst s6  }
0xf: {  	[smem:$0x3FB1] =	sst s7  }
0x10: {  	[smem:$0x3FB2] =	sst s8  }
0x11: {  	[smem:$0x3FB3] =	sst s9;
	s0 =	simm.s32 @!p0 $0x0  }
0x12: {  	s1 =	sld [smem:$0x3F99];
	s0 =	simm.s32 @p0 $0x1  }
0x13: {  	[smem:$0x3FB4] =	sst s0;
	s0 =	simm.s32 @!p1 $0x0  }
0x14: {  	s2 =	sld [smem:$0x3F98];
	s0 =	simm.s32 @p1 $0x1  }
0x15: {  	[smem:$0x3FB5] =	sst s0;
	s0 =	simm.s32 @!p2 $0x0  }
0x16: {  	s3 =	sld [smem:$0x3FDB];
	s0 =	simm.s32 @p2 $0x1  }
0x17: {  	s4 =	simm.s32 $0x1BF5;
	[smem:$0x3FB7] =	sst s0  }
0x18: {  	s0 =	sld [smem:$0x3F9A];
	_ =	swait.ge [sflag:s4], $0x0  }
0x19: {  	s7 =	sld [smem:$0x3F9B]  }
0x1a: {  	s8 =	sadd.s32 $0xFFFFE003, lr  }
0x1b: {  	s9 =	sadd.s32 $0xFFFFFEF7, lr;
	s5 =	simm.s32 $0xFFFFFFFF;
	p2 =	slt.u32 s8, $0xFFFFF086  }
0x1c: {  	p1 =	slt.u32 s9, $0xF7A;
	s5 =	simm.s32 @!p2 $0x0  }
0x1d: {  	s5 =	simm.s32 @p1 $0x1;
	p0 =	seq.s32 s7, s2  }
0x1e: {  	s7 =	smul.u32 @!p0 $0xF7A, s2;
	p2 =	seq.s32 @!p0 s5, $0x0  }
0x1f: {  	s9 =	smul.u32 $0xF7A, s1;
	s8 =	simm.s32 @!p0 $0x1BF5;
	p2 =	por !p2, p0  }
0x20: {  	[sflag:s8] =	ssyncset.s32 @!p0 $0xFFFFF086;
	s6 =	sadd.s32 @!p0 s3, s7;
	s7 =	simm.s32 @!p0 $0x108  }
0x21: {  	s3 =	sadd.s32 s3, s9;
	s6 =	sadd.s32 @!p0 $0x88, s6;
	s7 =	simm.s32 @p2 $0x1082  }
0x22: {  	[simem:s7], [sflag:s8] =	dma.local @!p0 [hbm:s6], $0xF7A  }
0x23: {  	s9 =	sor.u32 $0xD0000000, s2;
	s6 =	simm.s32 $0x108;
	_ =	swait.ge @!p0 [sflag:s8], $0x0  }
0x24: {  	s3 =	sadd.s32 $0x88, s3;
	s6 =	simm.s32 @!p1 $0x1082;
	[sflag:s4] =	ssyncset.s32 $0xFFFFF086  }
0x25: {  	[simem:s6], [sflag:s4] =	dma.local [hbm:s3], $0xF7A  }
0x26: {  	[smem:$0x3F9B] =	sst s1;
	(tag) =	ssettag s2;
	_ =	strace s9  }
0x27: {  	s1 =	sld [smem:$0x3FAB]  }
0x28: {  	s2 =	sld [smem:$0x3FAC]  }
0x29: {  	s4 =	sld [smem:$0x3FAE]  }
0x2a: {  	p0 =	seq.s32 s5, $0x0;
	s5 =	sld [smem:$0x3FAF]  }
0x2b: {  	s6 =	sld [smem:$0x3FB0]  }
0x2c: {  	s7 =	sld [smem:$0x3FB1]  }
0x2d: {  	s3 =	simm.s32 $0x108;
	s8 =	sld [smem:$0x3FB2]  }
0x2e: {  	s3 =	simm.s32 @!p0 $0x1082;
	s9 =	sld [smem:$0x3FB3]  }
0x2f: {  	lr =	sadd.s32 s0, s3;
	s0 =	sld [smem:$0x3FAA]  }
0x30: {  	s3 =	sld [smem:$0x3FAD]  }
0x31: {  	[smem:$0x3FB6] =	sst s10  }
0x32: {  	s10 =	sld [smem:$0x3FB4];
	_ =	sdelay $0x3  }
0x33: {  	p0 =	seq.s32 s10, $0x1;
	s10 =	sld [smem:$0x3FB6];
	_ =	sdelay $0x3  }
0x34: {  	[smem:$0x3FB6] =	sst s10  }
0x35: {  	s10 =	sld [smem:$0x3FB5];
	_ =	sdelay $0x3  }
0x36: {  	p1 =	seq.s32 s10, $0x1;
	s10 =	sld [smem:$0x3FB6];
	_ =	sdelay $0x3  }
0x37: {  	[smem:$0x3FB6] =	sst s10  }
0x38: {  	s10 =	sld [smem:$0x3FB7]  }
0x39: {  	_ = 	snop;
	(pc) =	sbr.ind lr, $3  }
0x3a: {  	_ = 	snop  }
0x3b: {  	_ = 	snop  }
0x3c: {  	p2 =	seq.s32 s10, $0x1;
	s10 =	sld [smem:$0x3FB6]  }
0x3d: {  	_ =	shalt  }
0x3e: {  	_ =	shalt  }
0x3f: {  	_ =	shalt  }
0x40: {  	_ =	shalt  }
0x41: {  	_ =	shalt  }
0x42: {  	_ =	shalt  }
0x43: {  	_ =	shalt  }
0x44: {  	_ =	shalt  }
0x45: {  	_ =	shalt  }
0x46: {  	_ =	shalt  }
0x47: {  	_ =	shalt  }
0x48: {  	_ =	shalt  }
0x49: {  	_ =	shalt  }
0x4a: {  	_ =	shalt  }
0x4b: {  	_ =	shalt  }
0x4c: {  	_ =	shalt  }
0x4d: {  	_ =	shalt  }
0x4e: {  	_ =	shalt  }
0x4f: {  	_ =	shalt  }
0x50: {  	_ =	shalt  }
0x51: {  	_ =	shalt  }
0x52: {  	_ =	shalt  }
0x53: {  	_ =	shalt  }
0x54: {  	_ =	shalt  }
0x55: {  	_ =	shalt  }
0x56: {  	_ =	shalt  }
0x57: {  	_ =	shalt  }
0x58: {  	_ =	shalt  }
0x59: {  	_ =	shalt  }
0x5a: {  	_ =	shalt  }
0x5b: {  	_ =	shalt  }
0x5c: {  	_ =	shalt  }
0x5d: {  	_ =	shalt  }
0x5e: {  	_ =	shalt  }
0x5f: {  	_ =	shalt  }
0x60: {  	_ =	shalt  }
0x61: {  	_ =	shalt  }
0x62: {  	_ =	shalt  }
0x63: {  	_ =	shalt  }
0x64: {  	_ =	shalt  }
0x65: {  	_ =	shalt  }
0x66: {  	_ =	shalt  }
0x67: {  	_ =	shalt  }
0x68: {  	_ =	shalt  }
0x69: {  	_ =	shalt  }
0x6a: {  	_ =	shalt  }
0x6b: {  	_ =	shalt  }
0x6c: {  	_ =	shalt  }
0x6d: {  	_ =	shalt  }
0x6e: {  	_ =	shalt  }
0x6f: {  	_ =	shalt  }
0x70: {  	_ =	shalt  }
0x71: {  	_ =	shalt  }
0x72: {  	_ =	shalt  }
0x73: {  	_ =	shalt  }
0x74: {  	_ =	shalt  }
0x75: {  	_ =	shalt  }
0x76: {  	_ =	shalt  }
0x77: {  	_ =	shalt  }
0x78: {  	_ =	shalt  }
0x79: {  	_ =	shalt  }
0x7a: {  	_ =	shalt  }
0x7b: {  	_ =	shalt  }
0x7c: {  	_ =	shalt  }
0x7d: {  	_ =	shalt  }
0x7e: {  	_ =	shalt  }
0x7f: {  	_ =	shalt  }
0x80: {  	_ =	shalt  }
0x81: {  	_ =	shalt  }
0x82: {  	_ =	shalt  }
0x83: {  	_ =	shalt  }
0x84: {  	_ =	shalt  }
0x85: {  	_ =	shalt  }
0x86: {  	_ =	shalt  }
0x87: {  	_ =	shalt  }
.Lfunc_end0:
.L_simem_size_0:
called_computation_lowered:
.L_overlay_start_0:
0x88: {  	s2 =	sld [smem:$0x3FD9]  }
0x89: {  	s3 =	sld [smem:$0x3FFE];
	_ =	sdelay $0x1  }
0x8a: {  	s1 =	srdreg.scid  }
0x8b: {  	s0 =	sand.u32 $0x1, s1  }
0x8c: {  	s17 =	sshll.u32 s0, $0xA;
	s2 =	sadd.s32 s3, s2  }
0x8d: {  	s2 =	sadd.s32 s2, s17  }
0x8e: {  	[smem:$0x3FC2] =	sst s2  }
0x8f: {  	_ = 	snop  }
0x90: {  	s2 =	sld [smem:$0x3FD0];
	(tm) =	ssettm $0x1  }
0x91: {  	s18 =	sld [smem:$0x3FFB];
	_ =	sdelay $0x3  }
0x92: {  	_ =	strace s18  }
0x93: {  	s3 =	sld [smem:$0x3FFC];
	_ =	sdelay $0x3  }
0x94: {  	_ =	strace s3  }
0x95: {  	s3 =	sld [smem:$0x3FFD];
	_ =	sdelay $0x3  }
0x96: {  	_ =	strace s3  }
0x97: {  	_ =	strace $0x8FFFFFFF  }
0x98: {  	s19 =	sld [smem:$0x3FDB];
	_ =	sdelay $0x1  }
0x99: {  	s4 =	simm.s32 $_scs_section_size  }
0x9a: {  	s5 =	simm.s32 $_size__tile_overlayer_lowered;
	s6 =	simm.s32 $_tile_overlayer_lowered  }
0x9b: {  	s22 =	simm.s32 $0x1BFF;
	s21 =	sshll.u32 s6, $0x1;
	s3 =	sadd.s32 s4, s19  }
0x9c: {  	s7 =	simm.s32 $0x0;
	s20 =	sshll.u32 s5, $0x1;
	s5 =	sadd.s32 s21, s3  }
0x9d: {  	[timem:s7], [sflag:s22] =	dma.local [hbm:s5], s20  }
0x9e: {  	_ =	swait.ge [sflag:s22], s20  }
0x9f: {  	s4 =	ssub.s32 $0x0, s20;
	[sflag:s22] =	ssyncset.done $0x0  }
0xa0: {  	[sflag:s22] =	ssyncadd.s32 s4;
	_ =	sdelay $0x1  }
0xa1: {  	s23 =	simm.s32 $0x1B8B  }
0xa2: {  	_ =	swait.ge [sflag:s23], $0x1  }
0xa3: {  	[sflag:s23] =	ssyncset.done $0x0  }
0xa4: {  	s25 =	simm.s32 $0x1B8E;
	s24 =	sld [smem:$0x3FFE];
	[sflag:s23] =	ssyncadd.s32 $0xFFFFFFFF  }
0xa5: {  	s26 =	simm.s32 $execute0_lowered;
	[smem:$0x3FD2] =	sst s25  }
0xa6: {  	s5 =	sshll.u32 s26, $0x1;
	_ =	strace $0x80000046;
	[dreg:$0x1] =	wrdreg $0xFFFFFFFF  }
0xa7: {  	s28 =	simm.s32 $_size_execute0_lowered;
	s3 =	sadd.s32 s3, s5;
	[dreg:$0x0] =	wrdreg $0x0  }
0xa8: {  	s5 =	sshll.u32 s28, $0x1;
	[dreg:$0x2] =	wrdreg s3  }
0xa9: {  	[dreg:$0x3] =	wrdreg s5  }
0xaa: {  	[dreg:$0x4] =	wrdreg $0xC0  }
0xab: {  	_ =	task [dreg:s7], $0x5FFFF  }
0xac: {  	[dreg:$0x1] =	wrdreg $0xFFFFFFFF  }
0xad: {  	[dreg:$0x0] =	wrdreg $0x60  }
0xae: {  	[dreg:$0x2] =	wrdreg s24  }
0xaf: {  	[dreg:$0x3] =	wrdreg s2  }
0xb0: {  	[dreg:$0x4] =	wrdreg $0x135600  }
0xb1: {  	[dreg:$0x5] =	wrdreg $0x9  }
0xb2: {  	_ =	task.clear_ibuf [dreg:s7], $0x6FFFF;
	_ =	strace $0x90000046  }
0xb3: {  	s29 =	simm.s32 $0x9;
	_ =	strace $0x80000048  }
0xb4: {  	_ =	swait.ge [sflag:s29], $0x1  }
0xb5: {  	[sflag:s29] =	ssyncadd.s32 $0xFFFFFFFF  }
0xb6: {  	_ =	strace $0x90000048  }
0xb7: {  	_ =	sfence  }
0xb8: {  	s30 =	sld [smem:$0x0];
	_ =	sdelay $0x2  }
0xb9: {  	s31 =	sshll.u32 s1, $0xD;
	s1 =	sshrl.u32 s1, $0x2  }
0xba: {  	s3 =	sand.u32 $0x4000, s31;
	s1 =	sadd.s32 s1, s30  }
0xbb: {  	s0 =	sor.u32 s3, s0;
	s1 =	sshll.u32 s1, $0x11  }
0xbc: {  	s0 =	sor.u32 s1, s0  }
0xbd: {  	s0 =	sadd.s32 $0x8F2B, s0  }
0xbe: {  	[sflag:s0] =	ssyncadd.remote.s32 $0x1  }
0xbf: {  	_ =	sfence.sel $0xFFFF  }
0xc0: {  	[dreg:$0x0] =	wrdreg $0xFFFFFFFF;
	(pc) =	sbr.abs _section_cstart, $3  }
0xc1: {  	[dreg:$0x1] =	wrdreg $0xFFFFFFFF  }
0xc2: {  	_ =	task.clear_ibuf [dreg:s7], $0x2FFFF;
	_ =	strace $0x9FFFFFFF  }
0xc3: {  	(tm) =	ssettm $0x7FFFFFFF  }
tec
execute0_lowered:
.L_overlay_start_1:
0x0: {  	(tag) =	ssettag $0x1  }
0x1: {  	s0 =	rddreg [dreg:$0x0]  }
0x2: {  	s2 =	rddreg [dreg:$0x1]  }
0x3: {  	s1 =	rddreg [dreg:$0x2];
	s4 =	simm.s32 $0x0  }
0x4: {  	s3 =	srdreg.scid;
	s8 =	stileid.u32;
	s17 =	simm.s32 $0x1  }
0x5: {  	s18 =	simm.s32 $0x2;
	s19 =	simm.s32 $0x50;
	s14 =	simm.s32 $0xC  }
0x6: {  	s12 =	simm.s32 $0xA;
	s13 =	simm.s32 $0xF;
	s15 =	simm.s32 $0x11  }
0x7: {  	s16 =	simm.s32 $0x12;
	s31 =	simm.s32 $0xDA20;
	s29 =	simm.s32 $0x4  }
0x8: {  	s30 =	simm.s32 $0xE;
	[smem:$0x7FF] =	sst s4;
	s3 =	sand.u32 $0x1, s3  }
0x9: {  	s6 =	smul.u32 $0x13880, s8;
	s4 =	sadd.s32 $0xAE00, s0;
	_ =	strace $0x80000047  }
0xa: {  	s5 =	sshll.u32 s3, $0x4;
	s7 =	sshll.u32 s3, $0x6;
	s3 =	ssub.s32 $0x2, s3  }
0xb: {  	s5 =	sor.u32 s8, s5;
	s6 =	sor.u32 s7, s6;
	s8 =	smul.u32 $0x27100, s8  }
0xc: {  	s20 =	sshrl.u32 s3, $0x1;
	s7 =	simm.s32 $0x8;
	s5 =	smul.u32 $0x4E2, s5  }
0xd: {  	s6 =	sshrl.u32 s6, $0x3;
	s3 =	ssub.s32 s3, s20;
	s20 =	simm.s32 $0x13  }
0xe: {  	s22 =	sshrl.u32 s8, $0x2;
	s24 =	smax.u32 s3, $0x1;
	s3 =	simm.s32 $0x5  }
0xf: {  	s8 =	simm.s32 $0x10;
	s2 =	sadd.s32 s2, s5;
	[dreg:$0x8] =	wrdreg s24  }
0x10: {  	s9 =	sadd.s32 s5, s0;
	s23 =	sadd.s32 s22, s1;
	[dreg:$0x5] =	wrdreg s2  }
0x11: {  	s0 =	sadd.s32 s6, s0;
	s21 =	sadd.s32 $0x1000, s9;
	[dreg:$0x7] =	wrdreg s23  }
0x12: {  	s22 =	simm.s32 $0x4;
	s0 =	sadd.s32 $0x32000, s0;
	[dreg:$0x4] =	wrdreg s21  }
0x13: {  	s5 =	simm.s32 $0xB;
	s25 =	sadd.s32 $0x1F40, s23;
	[dreg:$0x6] =	wrdreg s0  }
0x14: {  	s24 =	simm.s32 $0x2;
	s26 =	sadd.s32 $0x3E80, s23;
	[dreg:$0x9] =	wrdreg s25  }
0x15: {  	s28 =	sadd.s32 $0x5DC0, s23;
	s2 =	simm.s32 $0x0;
	[dreg:$0xa] =	wrdreg s26  }
0x16: {  	[dreg:$0xb] =	wrdreg s28;
	s0 =	sadd.s32 $0x7D00, s23;
	s21 =	simm.s32 $0x14  }
0x17: {  	v0 =	vimm.f32 $0.0e+00;
	s26 =	simm.s32 $0xC620;
	[dreg:$0xc] =	wrdreg s0;
	s0 =	simm.s32 $0x3  }
.LBB2_1:
0x18: {  	s23 =	simm.s32 $0x0;
	s25 =	rddreg [dreg:$0x4]  }
0x19: {  	[tilespmem:s23], [sflag:$0x1] =	stream.linear.gather [hbm4b:s25+s23], $0x2710, $0x38;
	[tilespmem:$0x1D1A0] =	vst v63  }
0x1a: {  	s11 =	rddreg [dreg:$0x5];
	s28 =	simm.s32 $0x2710  }
0x1b: {  	[tilespmem:s28], [sflag:$0x2] =	stream.linear.gather [hbm4b:s11+s23], $0x2710, $0x38;
	[tilespmem:$0x1D1A0] =	vst v63  }
0x1c: {  	[dreg:$0xd] =	wrdreg s2;
	s25 =	simm.s32 $0x100;
	s23 =	simm.s32 $0x0  }
.LBB2_2:
0x1d: {  	p0 =	sne.s32 s25, $0x7C00;
	[tilespmem:s23+$0x11650] =	vst v0;
	s28 =	smov.u32 s25;
	s25 =	sadd.s32 $0x100, s25  }
.Ltmp0:
0x1e: {  	[tilespmem:s23+$0x11640] =	vst v0;
	(pc) =	sbr.rel @p0 .LBB2_2-.Ltmp0, $3  }
0x1f: {  	[tilespmem:s23+$0x11620] =	vst v0  }
0x20: {  	[tilespmem:s23+$0x11630] =	vst v0;
	_ =	sdelay $0x1  }
0x21: {  	s23 =	sshra.s32 s28, $0x2  }
0x22: {  	[tilespmem:s23+$0x11650] =	vst v0  }
0x23: {  	[tilespmem:s23+$0x11640] =	vst v0  }
0x24: {  	[tilespmem:s23+$0x11620] =	vst v0  }
0x25: {  	[tilespmem:s23+$0x11630] =	vst v0;
	s6 =	rddreg [dreg:$0x7];
	s25 =	simm.s32 $0x11620;
	s28 =	simm.s32 $0x15  }
0x26: {  	[spmem:s6] =	stream.linear.scatter [tilespmem:s25], [sflag:$0x15], $0x1F40, $0x38;
	[tilespmem:$0x1D1A0] =	vst v63  }
0x27: {  	_ =	swait.ge [sflag:s28], $0x1F40  }
0x28: {  	[sflag:s28] =	ssyncset.done $0x0  }
0x29: {  	s9 =	rddreg [dreg:$0x9];
	[sflag:s28] =	ssyncadd.s32 $0xFFFFE0C0  }
0x2a: {  	[spmem:s9] =	stream.linear.scatter [tilespmem:s25], [sflag:$0x15], $0x1F40, $0x38;
	[tilespmem:$0x1D1A0] =	vst v63  }
0x2b: {  	_ =	swait.ge [sflag:s28], $0x1F40  }
0x2c: {  	[sflag:s28] =	ssyncset.done $0x0  }
0x2d: {  	s10 =	rddreg [dreg:$0xa];
	[sflag:s28] =	ssyncadd.s32 $0xFFFFE0C0  }
0x2e: {  	[spmem:s10] =	stream.linear.scatter [tilespmem:s25], [sflag:$0x15], $0x1F40, $0x38;
	[tilespmem:$0x1D1A0] =	vst v63  }
0x2f: {  	_ =	swait.ge [sflag:s28], $0x1F40  }
0x30: {  	[sflag:s28] =	ssyncset.done $0x0  }
0x31: {  	s11 =	rddreg [dreg:$0xb];
	[sflag:s28] =	ssyncadd.s32 $0xFFFFE0C0  }
0x32: {  	[spmem:s11] =	stream.linear.scatter [tilespmem:s25], [sflag:$0x15], $0x1F40, $0x38;
	[tilespmem:$0x1D1A0] =	vst v63  }
0x33: {  	_ =	swait.ge [sflag:s28], $0x1F40  }
0x34: {  	[sflag:s28] =	ssyncset.done $0x0  }
0x35: {  	s2 =	rddreg [dreg:$0xc];
	[sflag:s28] =	ssyncadd.s32 $0xFFFFE0C0  }
0x36: {  	[spmem:s2] =	stream.linear.scatter [tilespmem:s25], [sflag:$0x15], $0x1F40, $0x38;
	[tilespmem:$0x1D1A0] =	vst v63  }
0x37: {  	_ =	swait.ge [sflag:s28], $0x1F40  }
0x38: {  	[sflag:s28] =	ssyncset.done $0x0  }
0x39: {  	[sflag:s28] =	ssyncadd.s32 $0xFFFFE0C0  }
0x3a: {  	_ =	swait.ge [sflag:s17], $0x2710  }
0x3b: {  	[sflag:s17] =	ssyncset.done $0x0  }
0x3c: {  	[sflag:s17] =	ssyncadd.s32 $0xFFFFD8F0  }
0x3d: {  	_ =	swait.ge [sflag:s18], $0x2710  }
0x3e: {  	[sflag:s18] =	ssyncset.done $0x0  }
0x3f: {  	[sflag:s18] =	ssyncadd.s32 $0xFFFFD8F0  }
0x40: {  	s6 =	simm.s32 $0x0;
	s25 =	simm.s32 $0x4E20;
	[bflag:$0x0] =	sbarrier.arrive $0xFFFF  }
0x41: {  	[tilespmem:s25], [sflag:$0x1] =	stream.indirect.gather [hbm4b:s4+s19], $0x40, s6, s19, $0xb8;
	[tilespmem:$0x1D1A0] =	vst v63  }
0x42: {  	s2 =	simm.s32 $0x6220  }
0x43: {  	[tilespmem:s2], [sflag:$0x2] =	stream.indirect.gather [hbm4b:s4+s19], $0x40, s19, s19, $0xb8;
	[tilespmem:$0x1D1A0] =	vst v63  }
0x44: {  	s9 =	simm.s32 $0xA0;
	s10 =	simm.s32 $0x7620  }
0x45: {  	[tilespmem:s10], [sflag:$0x3] =	stream.indirect.gather [hbm4b:s4+s19], $0x40, s9, s19, $0xb8;
	[tilespmem:$0x1D1A0] =	vst v63  }
0x46: {  	s6 =	simm.s32 $0xF0;
	s9 =	simm.s32 $0x8A20  }
0x47: {  	[tilespmem:s9], [sflag:$0x4] =	stream.indirect.gather [hbm4b:s4+s19], $0x40, s6, s19, $0xb8;
	[tilespmem:$0x1D1A0] =	vst v63  }
0x48: {  	s2 =	simm.s32 $0x140;
	s6 =	simm.s32 $0x9E20  }
0x49: {  	[tilespmem:s6], [sflag:$0x5] =	stream.indirect.gather [hbm4b:s4+s19], $0x40, s2, s19, $0xb8;
	[tilespmem:$0x1D1A0] =	vst v63  }
0x4a: {  	_ =	swait.ge [sflag:s17], $0x1400  }
0x4b: {  	[sflag:s17] =	ssyncset.done $0x0  }
0x4c: {  	s2 =	simm.s32 $0x2710;
	[sflag:s17] =	ssyncadd.s32 $0xFFFFEC00  }
0x4d: {  	[spmem:s1] =	stream.indirect.scatter.add.f32 [tilespmem:s25], [sflag:$0xB], $0x40, s2, s19, $0xb8;
	[tilespmem:$0x1D1A0] =	vst v63  }
0x4e: {  	s23 =	simm.s32 $0x190;
	s2 =	simm.s32 $0xB220  }
0x4f: {  	[tilespmem:s2], [sflag:$0x6] =	stream.indirect.gather [hbm4b:s4+s19], $0x40, s23, s19, $0xb8;
	[tilespmem:$0x1D1A0] =	vst v63  }
0x50: {  	_ =	swait.ge [sflag:s18], $0x1400  }
0x51: {  	[sflag:s18] =	ssyncset.done $0x0  }
0x52: {  	s11 =	simm.s32 $0x6220;
	[sflag:s18] =	ssyncadd.s32 $0xFFFFEC00;
	s18 =	simm.s32 $0x2760  }
0x53: {  	[spmem:s1] =	stream.indirect.scatter.add.f32 [tilespmem:s11], [sflag:$0xC], $0x40, s18, s19, $0xb8;
	[tilespmem:$0x1D1A0] =	vst v63  }
0x54: {  	s11 =	simm.s32 $0x1E0  }
0x55: {  	[tilespmem:s26], [sflag:$0x7] =	stream.indirect.gather [hbm4b:s4+s19], $0x40, s11, s19, $0xb8;
	[tilespmem:$0x1D1A0] =	vst v63  }
0x56: {  	_ =	swait.ge [sflag:s0], $0x1400  }
0x57: {  	[sflag:s0] =	ssyncset.done $0x0  }
0x58: {  	s10 =	simm.s32 $0x7620;
	[sflag:s0] =	ssyncadd.s32 $0xFFFFEC00;
	s0 =	simm.s32 $0x27B0  }
0x59: {  	[spmem:s1] =	stream.indirect.scatter.add.f32 [tilespmem:s10], [sflag:$0xD], $0x40, s0, s19, $0xb8;
	[tilespmem:$0x1D1A0] =	vst v63  }
0x5a: {  	s10 =	simm.s32 $0x230  }
0x5b: {  	[tilespmem:s31], [sflag:$0x8] =	stream.indirect.gather [hbm4b:s4+s19], $0x40, s10, s19, $0xb8;
	[tilespmem:$0x1D1A0] =	vst v63  }
0x5c: {  	_ =	swait.ge [sflag:s22], $0x1400  }
0x5d: {  	[sflag:s22] =	ssyncset.done $0x0  }
0x5e: {  	s9 =	simm.s32 $0x8A20;
	s0 =	simm.s32 $0x2800;
	[sflag:s22] =	ssyncadd.s32 $0xFFFFEC00  }
0x5f: {  	[spmem:s1] =	stream.indirect.scatter.add.f32 [tilespmem:s9], [sflag:$0xE], $0x40, s0, s19, $0xb8;
	[tilespmem:$0x1D1A0] =	vst v63  }
0x60: {  	s10 =	simm.s32 $0x280;
	s22 =	simm.s32 $0xEE20  }
0x61: {  	[tilespmem:s22], [sflag:$0x9] =	stream.indirect.gather [hbm4b:s4+s19], $0x40, s10, s19, $0xb8;
	[tilespmem:$0x1D1A0] =	vst v63  }
0x62: {  	_ =	swait.ge [sflag:s3], $0x1400  }
0x63: {  	[sflag:s3] =	ssyncset.done $0x0  }
0x64: {  	s6 =	simm.s32 $0x9E20;
	[sflag:s3] =	ssyncadd.s32 $0xFFFFEC00;
	s3 =	simm.s32 $0x2850  }
0x65: {  	[spmem:s1] =	stream.indirect.scatter.add.f32 [tilespmem:s6], [sflag:$0xF], $0x40, s3, s19, $0xb8;
	[tilespmem:$0x1D1A0] =	vst v63  }
0x66: {  	s28 =	simm.s32 $0x6;
	s9 =	simm.s32 $0x10220;
	s6 =	simm.s32 $0x2D0  }
0x67: {  	[tilespmem:s9], [sflag:$0xA] =	stream.indirect.gather [hbm4b:s4+s19], $0x40, s6, s19, $0xb8;
	[tilespmem:$0x1D1A0] =	vst v63  }
0x68: {  	_ =	swait.ge [sflag:s28], $0x1400  }
0x69: {  	[sflag:s28] =	ssyncset.done $0x0  }
0x6a: {  	s10 =	simm.s32 $0x28A0;
	[sflag:s28] =	ssyncadd.s32 $0xFFFFEC00  }
0x6b: {  	[spmem:s1] =	stream.indirect.scatter.add.f32 [tilespmem:s2], [sflag:$0x10], $0x40, s10, s19, $0xb8;
	[tilespmem:$0x1D1A0] =	vst v63  }
0x6c: {  	_ =	swait.ge [sflag:s5], $0x1400  }
0x6d: {  	[sflag:s5] =	ssyncset.done $0x0  }
0x6e: {  	s6 =	simm.s32 $0x320;
	[sflag:s5] =	ssyncadd.s32 $0xFFFFEC00  }
0x6f: {  	[tilespmem:s25], [sflag:$0x1] =	stream.indirect.gather [hbm4b:s4+s19], $0x40, s6, s19, $0xb8;
	[tilespmem:$0x1D1A0] =	vst v63  }
0x70: {  	s6 =	simm.s32 $0x7  }
0x71: {  	_ =	swait.ge [sflag:s6], $0x1400  }
0x72: {  	[sflag:s6] =	ssyncset.done $0x0  }
0x73: {  	s10 =	simm.s32 $0x28F0;
	[sflag:s6] =	ssyncadd.s32 $0xFFFFEC00  }
0x74: {  	[spmem:s1] =	stream.indirect.scatter.add.f32 [tilespmem:s26], [sflag:$0x11], $0x40, s10, s19, $0xb8;
	[tilespmem:$0x1D1A0] =	vst v63  }
0x75: {  	_ =	swait.ge [sflag:s14], $0x1400  }
0x76: {  	[sflag:s14] =	ssyncset.done $0x0  }
0x77: {  	s18 =	simm.s32 $0x6220;
	s10 =	simm.s32 $0x370;
	[sflag:s14] =	ssyncadd.s32 $0xFFFFEC00  }
0x78: {  	[tilespmem:s18], [sflag:$0x2] =	stream.indirect.gather [hbm4b:s4+s19], $0x40, s10, s19, $0xb8;
	[tilespmem:$0x1D1A0] =	vst v63  }
0x79: {  	_ =	swait.ge [sflag:s7], $0x1400  }
0x7a: {  	[sflag:s7] =	ssyncset.done $0x0  }
0x7b: {  	s18 =	simm.s32 $0x2940;
	s10 =	simm.s32 $0xD;
	[sflag:s7] =	ssyncadd.s32 $0xFFFFEC00  }
0x7c: {  	[spmem:s1] =	stream.indirect.scatter.add.f32 [tilespmem:s31], [sflag:$0x12], $0x40, s18, s19, $0xb8;
	[tilespmem:$0x1D1A0] =	vst v63  }
0x7d: {  	_ =	swait.ge [sflag:s10], $0x1400  }
0x7e: {  	[sflag:s10] =	ssyncset.done $0x0  }
0x7f: {  	s11 =	simm.s32 $0x7620;
	s7 =	simm.s32 $0x3C0;
	[sflag:s10] =	ssyncadd.s32 $0xFFFFEC00  }
0x80: {  	[tilespmem:s11], [sflag:$0x3] =	stream.indirect.gather [hbm4b:s4+s19], $0x40, s7, s19, $0xb8;
	[tilespmem:$0x1D1A0] =	vst v63  }
0x81: {  	s11 =	simm.s32 $0x9  }
0x82: {  	_ =	swait.ge [sflag:s11], $0x1400  }
0x83: {  	[sflag:s11] =	ssyncset.done $0x0  }
0x84: {  	s18 =	simm.s32 $0x2990;
	[sflag:s11] =	ssyncadd.s32 $0xFFFFEC00  }
0x85: {  	[spmem:s1] =	stream.indirect.scatter.add.f32 [tilespmem:s22], [sflag:$0x13], $0x40, s18, s19, $0xb8;
	[tilespmem:$0x1D1A0] =	vst v63  }
0x86: {  	_ =	swait.ge [sflag:s30], $0x1400  }
0x87: {  	[sflag:s30] =	ssyncset.done $0x0  }
0x88: {  	s7 =	simm.s32 $0x410;
	s18 =	simm.s32 $0x8A20;
	[sflag:s30] =	ssyncadd.s32 $0xFFFFEC00  }
0x89: {  	[tilespmem:s18], [sflag:$0x4] =	stream.indirect.gather [hbm4b:s4+s19], $0x40, s7, s19, $0xb8;
	[tilespmem:$0x1D1A0] =	vst v63  }
0x8a: {  	_ =	swait.ge [sflag:s12], $0x1400  }
0x8b: {  	[sflag:s12] =	ssyncset.done $0x0  }
0x8c: {  	s7 =	simm.s32 $0x29E0;
	[sflag:s12] =	ssyncadd.s32 $0xFFFFEC00  }
0x8d: {  	[spmem:s1] =	stream.indirect.scatter.add.f32 [tilespmem:s9], [sflag:$0x14], $0x40, s7, s19, $0xb8;
	[tilespmem:$0x1D1A0] =	vst v63  }
0x8e: {  	_ =	swait.ge [sflag:s13], $0x1400  }
0x8f: {  	[sflag:s13] =	ssyncset.done $0x0  }
0x90: {  	s7 =	simm.s32 $0x460;
	s9 =	simm.s32 $0x9E20;
	[sflag:s13] =	ssyncadd.s32 $0xFFFFEC00  }
0x91: {  	[tilespmem:s9], [sflag:$0x5] =	stream.indirect.gather [hbm4b:s4+s19], $0x40, s7, s19, $0xb8;
	[tilespmem:$0x1D1A0] =	vst v63  }
0x92: {  	_ =	swait.ge [sflag:s17], $0x1400  }
0x93: {  	[sflag:s17] =	ssyncset.done $0x0  }
0x94: {  	[sflag:s17] =	ssyncadd.s32 $0xFFFFEC00;
	s17 =	simm.s32 $0x2A30  }
0x95: {  	[spmem:s1] =	stream.indirect.scatter.add.f32 [tilespmem:s25], [sflag:$0xB], $0x40, s17, s19, $0xb8;
	[tilespmem:$0x1D1A0] =	vst v63  }
0x96: {  	_ =	swait.ge [sflag:s8], $0x1400  }
0x97: {  	[sflag:s8] =	ssyncset.done $0x0  }
0x98: {  	s9 =	simm.s32 $0x4B0;
	[sflag:s8] =	ssyncadd.s32 $0xFFFFEC00  }
0x99: {  	[tilespmem:s2], [sflag:$0x6] =	stream.indirect.gather [hbm4b:s4+s19], $0x40, s9, s19, $0xb8;
	[tilespmem:$0x1D1A0] =	vst v63  }
0x9a: {  	_ =	swait.ge [sflag:s24], $0x1400  }
0x9b: {  	[sflag:s24] =	ssyncset.done $0x0  }
0x9c: {  	s17 =	simm.s32 $0x2A80;
	s25 =	simm.s32 $0x6220;
	[sflag:s24] =	ssyncadd.s32 $0xFFFFEC00  }
0x9d: {  	[spmem:s1] =	stream.indirect.scatter.add.f32 [tilespmem:s25], [sflag:$0xC], $0x40, s17, s19, $0xb8;
	[tilespmem:$0x1D1A0] =	vst v63  }
0x9e: {  	_ =	swait.ge [sflag:s15], $0x1400  }
0x9f: {  	[sflag:s15] =	ssyncset.done $0x0  }
0xa0: {  	s0 =	simm.s32 $0x3;
	s9 =	simm.s32 $0x500;
	[sflag:s15] =	ssyncadd.s32 $0xFFFFEC00  }
0xa1: {  	[tilespmem:s26], [sflag:$0x7] =	stream.indirect.gather [hbm4b:s4+s19], $0x40, s9, s19, $0xb8;
	[tilespmem:$0x1D1A0] =	vst v63  }
0xa2: {  	_ =	swait.ge [sflag:s0], $0x1400  }
0xa3: {  	[sflag:s0] =	ssyncset.done $0x0  }
0xa4: {  	s17 =	simm.s32 $0x2AD0;
	s25 =	simm.s32 $0x7620;
	[sflag:s0] =	ssyncadd.s32 $0xFFFFEC00  }
0xa5: {  	[spmem:s1] =	stream.indirect.scatter.add.f32 [tilespmem:s25], [sflag:$0xD], $0x40, s17, s19, $0xb8;
	[tilespmem:$0x1D1A0] =	vst v63  }
0xa6: {  	_ =	swait.ge [sflag:s16], $0x1400  }
0xa7: {  	[sflag:s16] =	ssyncset.done $0x0  }
0xa8: {  	s9 =	simm.s32 $0x550;
	[sflag:s16] =	ssyncadd.s32 $0xFFFFEC00  }
0xa9: {  	[tilespmem:s31], [sflag:$0x8] =	stream.indirect.gather [hbm4b:s4+s19], $0x40, s9, s19, $0xb8;
	[tilespmem:$0x1D1A0] =	vst v63  }
0xaa: {  	_ =	swait.ge [sflag:s29], $0x1400  }
0xab: {  	[sflag:s29] =	ssyncset.done $0x0  }
0xac: {  	s18 =	simm.s32 $0x8A20;
	s17 =	simm.s32 $0x2B20;
	[sflag:s29] =	ssyncadd.s32 $0xFFFFEC00  }
0xad: {  	[spmem:s1] =	stream.indirect.scatter.add.f32 [tilespmem:s18], [sflag:$0xE], $0x40, s17, s19, $0xb8;
	[tilespmem:$0x1D1A0] =	vst v63  }
0xae: {  	_ =	swait.ge [sflag:s20], $0x1400  }
0xaf: {  	[sflag:s20] =	ssyncset.done $0x0  }
0xb0: {  	s3 =	simm.s32 $0x5;
	s18 =	simm.s32 $0x5A0;
	[sflag:s20] =	ssyncadd.s32 $0xFFFFEC00  }
0xb1: {  	[tilespmem:s22], [sflag:$0x9] =	stream.indirect.gather [hbm4b:s4+s19], $0x40, s18, s19, $0xb8;
	[tilespmem:$0x1D1A0] =	vst v63  }
0xb2: {  	_ =	swait.ge [sflag:s3], $0x1400  }
0xb3: {  	[sflag:s3] =	ssyncset.done $0x0  }
0xb4: {  	s7 =	simm.s32 $0x9E20;
	s25 =	simm.s32 $0x2B70;
	[sflag:s3] =	ssyncadd.s32 $0xFFFFEC00  }
0xb5: {  	[spmem:s1] =	stream.indirect.scatter.add.f32 [tilespmem:s7], [sflag:$0xF], $0x40, s25, s19, $0xb8;
	[tilespmem:$0x1D1A0] =	vst v63  }
0xb6: {  	_ =	swait.ge [sflag:s21], $0x1400  }
0xb7: {  	s23 =	simm.s32 $0xC80;
	s9 =	simm.s32 $0x8;
	[sflag:s21] =	ssyncset.done $0x0  }
0xb8: {  	s18 =	simm.s32 $0x1;
	s25 =	simm.s32 $0x5F0;
	[sflag:s21] =	ssyncadd.s32 $0xFFFFEC00  }
.LBB2_4:
0xb9: {  	s17 =	simm.s32 $0x10220  }
0xba: {  	[tilespmem:s17], [sflag:$0xA] =	stream.indirect.gather [hbm4b:s4+s19], $0x40, s25, s19, $0xb8;
	[tilespmem:$0x1D1A0] =	vst v63  }
0xbb: {  	s25 =	smov.u32 s23  }
0xbc: {  	p0 =	sne.s32 s23, $0x7D00;
	s23 =	sadd.s32 $0xC80, s23;
	_ =	swait.ge [sflag:s28], $0x1400  }
0xbd: {  	s25 =	sshra.s32 s25, $0x2;
	[sflag:s28] =	ssyncset.done $0x0  }
0xbe: {  	[sflag:s28] =	ssyncadd.s32 $0xFFFFEC00;
	s28 =	sadd.s32 $0x28A0, s25  }
0xbf: {  	[spmem:s1] =	stream.indirect.scatter.add.f32 [tilespmem:s2], [sflag:$0x10], $0x40, s28, s19, $0xb8;
	[tilespmem:$0x1D1A0] =	vst v63  }
0xc0: {  	_ =	swait.ge [sflag:s5], $0x1400  }
0xc1: {  	[sflag:s5] =	ssyncset.done $0x0  }
0xc2: {  	s7 =	simm.s32 $0x4E20;
	s28 =	sadd.s32 $0x320, s25;
	[sflag:s5] =	ssyncadd.s32 $0xFFFFEC00  }
0xc3: {  	[tilespmem:s7], [sflag:$0x1] =	stream.indirect.gather [hbm4b:s4+s19], $0x40, s28, s19, $0xb8;
	[tilespmem:$0x1D1A0] =	vst v63  }
0xc4: {  	_ =	swait.ge [sflag:s6], $0x1400  }
0xc5: {  	[sflag:s6] =	ssyncset.done $0x0  }
0xc6: {  	s28 =	sadd.s32 $0x28F0, s25;
	[sflag:s6] =	ssyncadd.s32 $0xFFFFEC00  }
0xc7: {  	[spmem:s1] =	stream.indirect.scatter.add.f32 [tilespmem:s26], [sflag:$0x11], $0x40, s28, s19, $0xb8;
	[tilespmem:$0x1D1A0] =	vst v63  }
0xc8: {  	_ =	swait.ge [sflag:s14], $0x1400  }
0xc9: {  	[sflag:s14] =	ssyncset.done $0x0  }
0xca: {  	s28 =	sadd.s32 $0x370, s25;
	[sflag:s14] =	ssyncadd.s32 $0xFFFFEC00;
	s14 =	simm.s32 $0x6220  }
0xcb: {  	[tilespmem:s14], [sflag:$0x2] =	stream.indirect.gather [hbm4b:s4+s19], $0x40, s28, s19, $0xb8;
	[tilespmem:$0x1D1A0] =	vst v63  }
0xcc: {  	_ =	swait.ge [sflag:s9], $0x1400  }
0xcd: {  	[sflag:s9] =	ssyncset.done $0x0  }
0xce: {  	s28 =	sadd.s32 $0x2940, s25;
	[sflag:s9] =	ssyncadd.s32 $0xFFFFEC00  }
0xcf: {  	[spmem:s1] =	stream.indirect.scatter.add.f32 [tilespmem:s31], [sflag:$0x12], $0x40, s28, s19, $0xb8;
	[tilespmem:$0x1D1A0] =	vst v63  }
0xd0: {  	_ =	swait.ge [sflag:s10], $0x1400  }
0xd1: {  	[sflag:s10] =	ssyncset.done $0x0  }
0xd2: {  	s6 =	simm.s32 $0x7620;
	s28 =	sadd.s32 $0x3C0, s25;
	[sflag:s10] =	ssyncadd.s32 $0xFFFFEC00  }
0xd3: {  	[tilespmem:s6], [sflag:$0x3] =	stream.indirect.gather [hbm4b:s4+s19], $0x40, s28, s19, $0xb8;
	[tilespmem:$0x1D1A0] =	vst v63  }
0xd4: {  	_ =	swait.ge [sflag:s11], $0x1400  }
0xd5: {  	[sflag:s11] =	ssyncset.done $0x0  }
0xd6: {  	s28 =	sadd.s32 $0x2990, s25;
	[sflag:s11] =	ssyncadd.s32 $0xFFFFEC00  }
0xd7: {  	[spmem:s1] =	stream.indirect.scatter.add.f32 [tilespmem:s22], [sflag:$0x13], $0x40, s28, s19, $0xb8;
	[tilespmem:$0x1D1A0] =	vst v63  }
0xd8: {  	_ =	swait.ge [sflag:s30], $0x1400  }
0xd9: {  	[sflag:s30] =	ssyncset.done $0x0  }
0xda: {  	s5 =	simm.s32 $0x8A20;
	s28 =	sadd.s32 $0x410, s25;
	[sflag:s30] =	ssyncadd.s32 $0xFFFFEC00  }
0xdb: {  	[tilespmem:s5], [sflag:$0x4] =	stream.indirect.gather [hbm4b:s4+s19], $0x40, s28, s19, $0xb8;
	[tilespmem:$0x1D1A0] =	vst v63  }
0xdc: {  	_ =	swait.ge [sflag:s12], $0x1400  }
0xdd: {  	[sflag:s12] =	ssyncset.done $0x0  }
0xde: {  	s28 =	sadd.s32 $0x29E0, s25;
	[sflag:s12] =	ssyncadd.s32 $0xFFFFEC00  }
0xdf: {  	[spmem:s1] =	stream.indirect.scatter.add.f32 [tilespmem:s17], [sflag:$0x14], $0x40, s28, s19, $0xb8;
	[tilespmem:$0x1D1A0] =	vst v63  }
0xe0: {  	_ =	swait.ge [sflag:s13], $0x1400  }
0xe1: {  	[sflag:s13] =	ssyncset.done $0x0  }
0xe2: {  	s28 =	sadd.s32 $0x460, s25;
	s17 =	simm.s32 $0x9E20;
	[sflag:s13] =	ssyncadd.s32 $0xFFFFEC00  }
0xe3: {  	[tilespmem:s17], [sflag:$0x5] =	stream.indirect.gather [hbm4b:s4+s19], $0x40, s28, s19, $0xb8;
	[tilespmem:$0x1D1A0] =	vst v63  }
0xe4: {  	_ =	swait.ge [sflag:s18], $0x1400  }
0xe5: {  	[sflag:s18] =	ssyncset.done $0x0  }
0xe6: {  	s28 =	sadd.s32 $0x2A30, s25;
	[sflag:s18] =	ssyncadd.s32 $0xFFFFEC00  }
0xe7: {  	[spmem:s1] =	stream.indirect.scatter.add.f32 [tilespmem:s7], [sflag:$0xB], $0x40, s28, s19, $0xb8;
	[tilespmem:$0x1D1A0] =	vst v63  }
0xe8: {  	_ =	swait.ge [sflag:s8], $0x1400  }
0xe9: {  	[sflag:s8] =	ssyncset.done $0x0  }
0xea: {  	s28 =	sadd.s32 $0x4B0, s25;
	[sflag:s8] =	ssyncadd.s32 $0xFFFFEC00  }
0xeb: {  	[tilespmem:s2], [sflag:$0x6] =	stream.indirect.gather [hbm4b:s4+s19], $0x40, s28, s19, $0xb8;
	[tilespmem:$0x1D1A0] =	vst v63  }
0xec: {  	_ =	swait.ge [sflag:s24], $0x1400  }
0xed: {  	[sflag:s24] =	ssyncset.done $0x0  }
0xee: {  	s28 =	sadd.s32 $0x2A80, s25;
	[sflag:s24] =	ssyncadd.s32 $0xFFFFEC00  }
0xef: {  	[spmem:s1] =	stream.indirect.scatter.add.f32 [tilespmem:s14], [sflag:$0xC], $0x40, s28, s19, $0xb8;
	[tilespmem:$0x1D1A0] =	vst v63  }
0xf0: {  	s14 =	simm.s32 $0xC  }
0xf1: {  	_ =	swait.ge [sflag:s15], $0x1400  }
0xf2: {  	[sflag:s15] =	ssyncset.done $0x0  }
0xf3: {  	s28 =	sadd.s32 $0x500, s25;
	[sflag:s15] =	ssyncadd.s32 $0xFFFFEC00  }
0xf4: {  	[tilespmem:s26], [sflag:$0x7] =	stream.indirect.gather [hbm4b:s4+s19], $0x40, s28, s19, $0xb8;
	[tilespmem:$0x1D1A0] =	vst v63  }
0xf5: {  	_ =	swait.ge [sflag:s0], $0x1400  }
0xf6: {  	[sflag:s0] =	ssyncset.done $0x0  }
0xf7: {  	s28 =	sadd.s32 $0x2AD0, s25;
	[sflag:s0] =	ssyncadd.s32 $0xFFFFEC00  }
0xf8: {  	[spmem:s1] =	stream.indirect.scatter.add.f32 [tilespmem:s6], [sflag:$0xD], $0x40, s28, s19, $0xb8;
	[tilespmem:$0x1D1A0] =	vst v63  }
0xf9: {  	s6 =	simm.s32 $0x7  }
0xfa: {  	_ =	swait.ge [sflag:s16], $0x1400  }
0xfb: {  	[sflag:s16] =	ssyncset.done $0x0  }
0xfc: {  	s28 =	sadd.s32 $0x550, s25;
	[sflag:s16] =	ssyncadd.s32 $0xFFFFEC00  }
0xfd: {  	[tilespmem:s31], [sflag:$0x8] =	stream.indirect.gather [hbm4b:s4+s19], $0x40, s28, s19, $0xb8;
	[tilespmem:$0x1D1A0] =	vst v63  }
0xfe: {  	_ =	swait.ge [sflag:s29], $0x1400  }
0xff: {  	[sflag:s29] =	ssyncset.done $0x0  }
0x100: {  	s28 =	sadd.s32 $0x2B20, s25;
	[sflag:s29] =	ssyncadd.s32 $0xFFFFEC00  }
0x101: {  	[spmem:s1] =	stream.indirect.scatter.add.f32 [tilespmem:s5], [sflag:$0xE], $0x40, s28, s19, $0xb8;
	[tilespmem:$0x1D1A0] =	vst v63  }
0x102: {  	s5 =	simm.s32 $0xB  }
0x103: {  	_ =	swait.ge [sflag:s20], $0x1400  }
0x104: {  	[sflag:s20] =	ssyncset.done $0x0  }
0x105: {  	s28 =	sadd.s32 $0x5A0, s25;
	[sflag:s20] =	ssyncadd.s32 $0xFFFFEC00  }
0x106: {  	[tilespmem:s22], [sflag:$0x9] =	stream.indirect.gather [hbm4b:s4+s19], $0x40, s28, s19, $0xb8;
	[tilespmem:$0x1D1A0] =	vst v63  }
0x107: {  	_ =	swait.ge [sflag:s3], $0x1400  }
0x108: {  	[sflag:s3] =	ssyncset.done $0x0  }
0x109: {  	s28 =	sadd.s32 $0x2B70, s25;
	[sflag:s3] =	ssyncadd.s32 $0xFFFFEC00  }
0x10a: {  	[spmem:s1] =	stream.indirect.scatter.add.f32 [tilespmem:s17], [sflag:$0xF], $0x40, s28, s19, $0xb8;
	[tilespmem:$0x1D1A0] =	vst v63  }
.Ltmp1:
0x10b: {  	_ = 	snop;
	(pc) =	sbr.rel @p0 .LBB2_4-.Ltmp1, $4  }
0x10c: {  	s28 =	simm.s32 $0x6  }
0x10d: {  	_ =	swait.ge [sflag:s21], $0x1400  }
0x10e: {  	[sflag:s21] =	ssyncset.done $0x0  }
0x10f: {  	s25 =	sadd.s32 $0x5F0, s25;
	[sflag:s21] =	ssyncadd.s32 $0xFFFFEC00  }
0x110: {  	s17 =	simm.s32 $0x10220  }
0x111: {  	[tilespmem:s17], [sflag:$0xA] =	stream.indirect.gather [hbm4b:s4+s19], $0x40, s25, s19, $0xb8;
	[tilespmem:$0x1D1A0] =	vst v63  }
0x112: {  	_ =	swait.ge [sflag:s28], $0x1400  }
0x113: {  	[sflag:s28] =	ssyncset.done $0x0  }
0x114: {  	s23 =	simm.s32 $0x4B00;
	[sflag:s28] =	ssyncadd.s32 $0xFFFFEC00  }
0x115: {  	[spmem:s1] =	stream.indirect.scatter.add.f32 [tilespmem:s2], [sflag:$0x10], $0x40, s23, s19, $0xb8;
	[tilespmem:$0x1D1A0] =	vst v63  }
0x116: {  	_ =	swait.ge [sflag:s5], $0x1400  }
0x117: {  	[sflag:s5] =	ssyncset.done $0x0  }
0x118: {  	s7 =	simm.s32 $0x4E20;
	s25 =	simm.s32 $0x2580;
	[sflag:s5] =	ssyncadd.s32 $0xFFFFEC00  }
0x119: {  	[tilespmem:s7], [sflag:$0x1] =	stream.indirect.gather [hbm4b:s4+s19], $0x40, s25, s19, $0xb8;
	[tilespmem:$0x1D1A0] =	vst v63  }
0x11a: {  	_ =	swait.ge [sflag:s6], $0x1400  }
0x11b: {  	[sflag:s6] =	ssyncset.done $0x0  }
0x11c: {  	s28 =	simm.s32 $0x4B50;
	[sflag:s6] =	ssyncadd.s32 $0xFFFFEC00  }
0x11d: {  	[spmem:s1] =	stream.indirect.scatter.add.f32 [tilespmem:s26], [sflag:$0x11], $0x40, s28, s19, $0xb8;
	[tilespmem:$0x1D1A0] =	vst v63  }
0x11e: {  	_ =	swait.ge [sflag:s14], $0x1400  }
0x11f: {  	[sflag:s14] =	ssyncset.done $0x0  }
0x120: {  	s5 =	simm.s32 $0x25D0;
	[sflag:s14] =	ssyncadd.s32 $0xFFFFEC00;
	s14 =	simm.s32 $0x6220  }
0x121: {  	[tilespmem:s14], [sflag:$0x2] =	stream.indirect.gather [hbm4b:s4+s19], $0x40, s5, s19, $0xb8;
	[tilespmem:$0x1D1A0] =	vst v63  }
0x122: {  	_ =	swait.ge [sflag:s9], $0x1400  }
0x123: {  	[sflag:s9] =	ssyncset.done $0x0  }
0x124: {  	s6 =	simm.s32 $0x4BA0;
	[sflag:s9] =	ssyncadd.s32 $0xFFFFEC00  }
0x125: {  	[spmem:s1] =	stream.indirect.scatter.add.f32 [tilespmem:s31], [sflag:$0x12], $0x40, s6, s19, $0xb8;
	[tilespmem:$0x1D1A0] =	vst v63  }
0x126: {  	_ =	swait.ge [sflag:s10], $0x1400  }
0x127: {  	[sflag:s10] =	ssyncset.done $0x0  }
0x128: {  	s23 =	simm.s32 $0x2620;
	s6 =	simm.s32 $0x7620;
	[sflag:s10] =	ssyncadd.s32 $0xFFFFEC00  }
0x129: {  	[tilespmem:s6], [sflag:$0x3] =	stream.indirect.gather [hbm4b:s4+s19], $0x40, s23, s19, $0xb8;
	[tilespmem:$0x1D1A0] =	vst v63  }
0x12a: {  	_ =	swait.ge [sflag:s11], $0x1400  }
0x12b: {  	[sflag:s11] =	ssyncset.done $0x0  }
0x12c: {  	s25 =	simm.s32 $0x4BF0;
	[sflag:s11] =	ssyncadd.s32 $0xFFFFEC00  }
0x12d: {  	[spmem:s1] =	stream.indirect.scatter.add.f32 [tilespmem:s22], [sflag:$0x13], $0x40, s25, s19, $0xb8;
	[tilespmem:$0x1D1A0] =	vst v63  }
0x12e: {  	_ =	swait.ge [sflag:s30], $0x1400  }
0x12f: {  	[sflag:s30] =	ssyncset.done $0x0  }
0x130: {  	s28 =	simm.s32 $0x2670;
	s5 =	simm.s32 $0x8A20;
	[sflag:s30] =	ssyncadd.s32 $0xFFFFEC00  }
0x131: {  	[tilespmem:s5], [sflag:$0x4] =	stream.indirect.gather [hbm4b:s4+s19], $0x40, s28, s19, $0xb8;
	[tilespmem:$0x1D1A0] =	vst v63  }
0x132: {  	_ =	swait.ge [sflag:s12], $0x1400  }
0x133: {  	[sflag:s12] =	ssyncset.done $0x0  }
0x134: {  	s11 =	simm.s32 $0x4C40;
	[sflag:s12] =	ssyncadd.s32 $0xFFFFEC00  }
0x135: {  	[spmem:s1] =	stream.indirect.scatter.add.f32 [tilespmem:s17], [sflag:$0x14], $0x40, s11, s19, $0xb8;
	[tilespmem:$0x1D1A0] =	vst v63  }
0x136: {  	_ =	swait.ge [sflag:s13], $0x1400  }
0x137: {  	[sflag:s13] =	ssyncset.done $0x0  }
0x138: {  	s23 =	simm.s32 $0x9E20;
	s22 =	simm.s32 $0x26C0;
	[sflag:s13] =	ssyncadd.s32 $0xFFFFEC00  }
0x139: {  	[tilespmem:s23], [sflag:$0x5] =	stream.indirect.gather [hbm4b:s4+s19], $0x40, s22, s19, $0xb8;
	[tilespmem:$0x1D1A0] =	vst v63  }
0x13a: {  	_ =	swait.ge [sflag:s18], $0x1400  }
0x13b: {  	[sflag:s18] =	ssyncset.done $0x0  }
0x13c: {  	s25 =	simm.s32 $0x4C90;
	[sflag:s18] =	ssyncadd.s32 $0xFFFFEC00  }
0x13d: {  	[spmem:s1] =	stream.indirect.scatter.add.f32 [tilespmem:s7], [sflag:$0xB], $0x40, s25, s19, $0xb8;
	[tilespmem:$0x1D1A0] =	vst v63  }
0x13e: {  	_ =	swait.ge [sflag:s8], $0x1400  }
0x13f: {  	[sflag:s8] =	ssyncset.done $0x0  }
0x140: {  	[sflag:s8] =	ssyncadd.s32 $0xFFFFEC00  }
0x141: {  	_ =	swait.ge [sflag:s24], $0x1400  }
0x142: {  	[sflag:s24] =	ssyncset.done $0x0  }
0x143: {  	s28 =	simm.s32 $0x4CE0;
	[sflag:s24] =	ssyncadd.s32 $0xFFFFEC00  }
0x144: {  	[spmem:s1] =	stream.indirect.scatter.add.f32 [tilespmem:s14], [sflag:$0xC], $0x40, s28, s19, $0xb8;
	[tilespmem:$0x1D1A0] =	vst v63  }
0x145: {  	_ =	swait.ge [sflag:s15], $0x1400  }
0x146: {  	[sflag:s15] =	ssyncset.done $0x0  }
0x147: {  	[sflag:s15] =	ssyncadd.s32 $0xFFFFEC00  }
0x148: {  	_ =	swait.ge [sflag:s0], $0x1400  }
0x149: {  	[sflag:s0] =	ssyncset.done $0x0  }
0x14a: {  	[sflag:s0] =	ssyncadd.s32 $0xFFFFEC00;
	s0 =	simm.s32 $0x4D30  }
0x14b: {  	[spmem:s1] =	stream.indirect.scatter.add.f32 [tilespmem:s6], [sflag:$0xD], $0x40, s0, s19, $0xb8;
	[tilespmem:$0x1D1A0] =	vst v63  }
0x14c: {  	_ =	swait.ge [sflag:s16], $0x1400  }
0x14d: {  	[sflag:s16] =	ssyncset.done $0x0  }
0x14e: {  	[sflag:s16] =	ssyncadd.s32 $0xFFFFEC00  }
0x14f: {  	_ =	swait.ge [sflag:s29], $0x1400  }
0x150: {  	[sflag:s29] =	ssyncset.done $0x0  }
0x151: {  	s6 =	simm.s32 $0x4D80;
	[sflag:s29] =	ssyncadd.s32 $0xFFFFEC00  }
0x152: {  	[spmem:s1] =	stream.indirect.scatter.add.f32 [tilespmem:s5], [sflag:$0xE], $0x40, s6, s19, $0xb8;
	[tilespmem:$0x1D1A0] =	vst v63  }
0x153: {  	_ =	swait.ge [sflag:s20], $0x1400  }
0x154: {  	[sflag:s20] =	ssyncset.done $0x0  }
0x155: {  	[sflag:s20] =	ssyncadd.s32 $0xFFFFEC00  }
0x156: {  	_ =	swait.ge [sflag:s3], $0x1400  }
0x157: {  	[sflag:s3] =	ssyncset.done $0x0  }
0x158: {  	s7 =	simm.s32 $0x4DD0;
	[sflag:s3] =	ssyncadd.s32 $0xFFFFEC00  }
0x159: {  	[spmem:s1] =	stream.indirect.scatter.add.f32 [tilespmem:s23], [sflag:$0xF], $0x40, s7, s19, $0xb8;
	[tilespmem:$0x1D1A0] =	vst v63  }
0x15a: {  	_ =	swait.ge [sflag:s21], $0x1400  }
0x15b: {  	[sflag:s21] =	ssyncset.done $0x0  }
0x15c: {  	s5 =	simm.s32 $0xB;
	[sflag:s21] =	ssyncadd.s32 $0xFFFFEC00  }
0x15d: {  	_ =	swait.ge [sflag:s5], $0x1400  }
0x15e: {  	[sflag:s5] =	ssyncset.done $0x0  }
0x15f: {  	s14 =	simm.s32 $0xC;
	[sflag:s5] =	ssyncadd.s32 $0xFFFFEC00  }
0x160: {  	_ =	swait.ge [sflag:s14], $0x1400  }
0x161: {  	[sflag:s14] =	ssyncset.done $0x0  }
0x162: {  	[sflag:s14] =	ssyncadd.s32 $0xFFFFEC00  }
0x163: {  	_ =	swait.ge [sflag:s10], $0x1400  }
0x164: {  	[sflag:s10] =	ssyncset.done $0x0  }
0x165: {  	[sflag:s10] =	ssyncadd.s32 $0xFFFFEC00  }
0x166: {  	_ =	swait.ge [sflag:s30], $0x1400  }
0x167: {  	[sflag:s30] =	ssyncset.done $0x0  }
0x168: {  	[sflag:s30] =	ssyncadd.s32 $0xFFFFEC00  }
0x169: {  	_ =	swait.ge [sflag:s13], $0x1400  }
0x16a: {  	[sflag:s13] =	ssyncset.done $0x0  }
0x16b: {  	[sflag:s13] =	ssyncadd.s32 $0xFFFFEC00  }
0x16c: {  	s10 =	stileid.u32;
	[bflag:$0x0] =	sbarrier.arrive $0xFFFF  }
0x16d: {  	s22 =	simm.s32 $0x15;
	s23 =	sshll.u32 s10, $0x6;
	s11 =	rddreg [dreg:$0x7]  }
0x16e: {  	s23 =	sor.u32 $0x1C15, s23;
	s17 =	rddreg [dreg:$0x6];
	s25 =	sshrl.u32 s11, $0x3  }
0x16f: {  	[hbm:s17@s8], [sflag:s23] =	dma.strided [spmem:s25@s9], $0x1388, s18, $0x8   }
0x170: {  	_ =	swait.ge [sflag:s22], $0x1388  }
0x171: {  	s23 =	rddreg [dreg:$0xd]  }
0x172: {  	s28 =	rddreg [dreg:$0x8];
	s2 =	sadd.s32 $0x1, s23  }
0x173: {  	p0 =	sne.s32 s2, s28  }
.Ltmp2:
0x174: {  	_ = 	snop;
	(pc) =	sbr.rel @p0 .LBB2_1-.Ltmp2, $4  }
0x175: {  	_ = 	snop  }
0x176: {  	s0 =	simm.s32 $0x3;
	s3 =	simm.s32 $0x5  }
0x177: {  	s7 =	simm.s32 $0x8;
	s17 =	simm.s32 $0x1;
	[sflag:s22] =	ssyncset.done $0x0  }
0x178: {  	s18 =	simm.s32 $0x2;
	[sflag:s22] =	ssyncadd.s32 $0xFFFFEC78;
	s22 =	simm.s32 $0x4  }
0x179: {  	_ =	sfence.sel $0x180000  }
0x17a: {  	[bflag:$0x0] =	sbarrier.arrive $0xFFFF  }
0x17b: {  	_ =	strace $0x90000047  }
0x17c: {  	s0 =	stileid.u32;
	[bflag:$0x2] =	sbarrier.arrive $0xFFFF  }
0x17d: {  	p0 =	sne.s32 s0, $0x0;
	s0 =	rddreg [dreg:$0x3]  }
0x17e: {  	s0 =	sadd.s32 @!p0 $0x100000, s0  }
0x17f: {  	[sflag:s0] =	ssyncadd.tile.s32 @!p0 $0x1;
	_ =	shalt  }
.Lfunc_end2:
_tile_overlayer_lowered:
.L_overlay_start_2:
0x180: {  	(tag) =	ssettag $0x2  }
0x181: {  	s0 =	rddreg [dreg:$0x0];
	s2 =	stileid.u32  }
0x182: {  	s1 =	rddreg [dreg:$0x1];
	p0 =	sne.s32 s2, $0x0  }
0x183: {  	s3 =	rddreg [dreg:$0x2];
	[bflag:$0x3] =	sbarrier.arrive $0xFFFF;
	s2 =	simm.s32 @!p0 $0x1C15  }
0x184: {  	[timem:s3], [sflag:s2] =	dma.local @!p0 [hbm:s0], s1  }
0x185: {  	s0 =	simm.s32 @!p0 $0x15  }
0x186: {  	_ =	swait.ge @!p0 [sflag:s0], s1  }
0x187: {  	s1 =	ssub.s32 @!p0 $0x0, s1;
	[sflag:s0] =	ssyncset.done @!p0 $0x0  }
0x188: {  	[sflag:s0] =	ssyncadd.s32 @!p0 s1  }
0x189: {  	[bflag:$0x3] =	sbarrier.arrive $0xFFFF  }
0x18a: {  	_ =	shalt  }

</sc_bundles>
